<compile_context>
chip_gen: v7x
topology: tpu7x:2x2x1
jax: 0.10.2.dev20260603
libtpu: 0.0.44.dev20260713+nightly
codegen_flags: <defaults>
</compile_context>

<pallas_src>
import functools

import jax
import jax.numpy as jnp
from jax import lax
from jax.experimental import pallas as pl
from jax.experimental.pallas import tpu as pltpu
from jax.experimental.pallas import tpu_sc as plsc



def _gate_body(ea_ref, we_ref, out_ref):
    g = jnp.dot(ea_ref[...], we_ref[...], preferred_element_type=jnp.float32)
    out_ref[...] = 1.0 / (1.0 + jnp.exp(-g))


def _gate(edge_attr, W_edge, block_e=2000):
    E, DE = edge_attr.shape
    D = W_edge.shape[1]
    return pl.pallas_call(
        _gate_body,
        grid=(E // block_e,),
        in_specs=[
            pl.BlockSpec((block_e, DE), lambda i: (i, 0)),
            pl.BlockSpec((DE, D), lambda i: (0, 0)),
        ],
        out_specs=pl.BlockSpec((block_e, D), lambda i: (i, 0)),
        out_shape=jax.ShapeDtypeStruct((E, D), jnp.float32),
    )(edge_attr, W_edge)



_NC = 2
_NS = 16
_CHUNK = 128


def _sc_edge_aggregate(x, src, dst, gate):
    N, D = x.shape
    E = src.shape[0]
    NW = _NC * _NS
    per_worker = E // NW
    n_full = per_worker // _CHUNK
    tail = per_worker - n_full * _CHUNK
    rows_per_tile = N // _NS
    zchunk = rows_per_tile // 5
    n_zero = 5

    z128 = jnp.zeros((_CHUNK, D), jnp.float32)
    zN = jnp.zeros((N,), jnp.float32)

    mesh = plsc.VectorSubcoreMesh(core_axis_name="c", subcore_axis_name="s")

    @functools.partial(
        pl.kernel,
        mesh=mesh,
        out_type=[
            jax.ShapeDtypeStruct((_NC, N, D), jnp.float32),
            jax.ShapeDtypeStruct((NW, N), jnp.float32),
        ],
        compiler_params=pltpu.CompilerParams(use_tc_tiling_on_sc=False,
                                             needs_layout_passes=False),
        scratch_types=[
            pltpu.VMEM((_CHUNK,), jnp.int32),
            pltpu.VMEM((_CHUNK,), jnp.int32),
            pltpu.VMEM((16,), jnp.int32),
            pltpu.VMEM((16,), jnp.int32),
            pltpu.VMEM((_CHUNK, D), jnp.float32),
            pltpu.VMEM((_CHUNK, D), jnp.float32),
            pltpu.VMEM((N,), jnp.float32),
            pltpu.VMEM_SHARED((N, D), jnp.float32),
            pltpu.SemaphoreType.DMA,
        ],
    )
    def sc_kernel(x_hbm, src_hbm, dst_hbm, gate_hbm, z128_hbm, zN_hbm,
                  agg_out, deg_out, src_v, dst_v, tsrc_v, tdst_v,
                  xrows_v, gate_v, deg_v, agg_sh, sem):
        cid = lax.axis_index("c")
        sid = lax.axis_index("s")

        pltpu.sync_copy(z128_hbm, xrows_v)
        pltpu.sync_copy(zN_hbm, deg_v)
        for q in range(n_zero):
            row = sid * rows_per_tile + q * zchunk
            pltpu.sync_copy(xrows_v.at[pl.ds(0, zchunk)],
                            agg_sh.at[pl.ds(row, zchunk), :])
        plsc.subcore_barrier()

        wid = cid * _NS + sid
        base = wid * per_worker
        ones16 = jnp.full((16,), 1.0, jnp.float32)

        def do_chunk(off, n, si_v, di_v):
            pltpu.sync_copy(src_hbm.at[pl.ds(off, n)], si_v)
            pltpu.sync_copy(dst_hbm.at[pl.ds(off, n)], di_v)
            pltpu.async_copy(x_hbm.at[si_v], xrows_v.at[pl.ds(0, n)],
                             sem).wait()
            pltpu.sync_copy(gate_hbm.at[pl.ds(off, n), :],
                            gate_v.at[pl.ds(0, n)])

            def mul_row(r, carry):
                for k in range(D // 16):
                    s = pl.ds(k * 16, 16)
                    xrows_v[r, s] = xrows_v[r, s] * gate_v[r, s]
                return carry

            lax.fori_loop(0, n, mul_row, 0)
            for j in range(n // 16):
                idx16 = di_v[pl.ds(j * 16, 16)]
                plsc.addupdate_scatter(deg_v, [idx16], ones16)
            pltpu.sync_copy(xrows_v.at[pl.ds(0, n)], agg_sh.at[di_v],
                            add=True)

        def step(j, carry):
            do_chunk(base + j * _CHUNK, _CHUNK, src_v, dst_v)
            return carry

        lax.fori_loop(0, n_full, step, 0)
        if tail:
            do_chunk(base + n_full * _CHUNK, tail, tsrc_v, tdst_v)

        plsc.subcore_barrier()
        pltpu.sync_copy(deg_v, deg_out.at[wid])
        for q in range(n_zero):
            row = sid * rows_per_tile + q * zchunk
            pltpu.sync_copy(agg_sh.at[pl.ds(row, zchunk), :],
                            xrows_v.at[pl.ds(0, zchunk)])
            pltpu.sync_copy(xrows_v.at[pl.ds(0, zchunk)],
                            agg_out.at[cid, pl.ds(row, zchunk), :])

    return sc_kernel(x, src, dst, gate, z128, zN)



def _head(x, agg0, agg1, deg_parts, batch_indices, W_enc, W_lin, b_lin,
          n_groups, block_n=1000):
    N, D = x.shape
    NW = deg_parts.shape[1]
    nb = N // block_n
    bi3 = batch_indices.reshape(nb, 1, block_n)
    bl2 = b_lin.reshape(1, 1)

    def body(x_ref, a0_ref, a1_ref, d_ref, bi_ref, we_ref, wl_ref,
             bl_ref, out_ref, pooled_acc, cnt_acc):
        i = pl.program_id(0)

        @pl.when(i == 0)
        def _():
            pooled_acc[...] = jnp.zeros_like(pooled_acc)
            cnt_acc[...] = jnp.zeros_like(cnt_acc)

        agg = a0_ref[...] + a1_ref[...]
        deg = jnp.sum(d_ref[...], axis=1, keepdims=True)
        agg = agg / jnp.maximum(deg, 1.0)
        h = jnp.maximum(
            jnp.dot(x_ref[...] + agg, we_ref[...],
                    preferred_element_type=jnp.float32), 0.0)
        b = bi_ref[0, 0, :]
        onehot = (b[:, None] == lax.broadcasted_iota(
            jnp.int32, (block_n, n_groups), 1)).astype(jnp.float32)
        pooled_acc[...] += lax.dot_general(
            onehot, h, (((0,), (0,)), ((), ())),
            preferred_element_type=jnp.float32)
        cnt = jnp.sum(onehot, axis=0)
        cnt_acc[...] += cnt[:, None]

        pooled = pooled_acc[...] / jnp.maximum(cnt_acc[...], 1.0)
        out_ref[...] = jnp.dot(pooled, wl_ref[...],
                               preferred_element_type=jnp.float32) + bl_ref[0, 0]

    return pl.pallas_call(
        body,
        grid=(nb,),
        in_specs=[
            pl.BlockSpec((block_n, D), lambda i: (i, 0)),
            pl.BlockSpec((block_n, D), lambda i: (i, 0)),
            pl.BlockSpec((block_n, D), lambda i: (i, 0)),
            pl.BlockSpec((block_n, NW), lambda i: (i, 0)),
            pl.BlockSpec((1, 1, block_n), lambda i: (i, 0, 0)),
            pl.BlockSpec((D, D), lambda i: (0, 0)),
            pl.BlockSpec((D, 1), lambda i: (0, 0)),
            pl.BlockSpec(memory_space=pltpu.SMEM),
        ],
        out_specs=pl.BlockSpec((n_groups, 1), lambda i: (0, 0)),
        out_shape=jax.ShapeDtypeStruct((n_groups, 1), jnp.float32),
        scratch_shapes=[
            pltpu.VMEM((n_groups, D), jnp.float32),
            pltpu.VMEM((n_groups, D), jnp.float32),
        ],
    )(x, agg0, agg1, deg_parts, bi3, W_enc, W_lin, bl2)



def kernel(x, pos, edge_index, edge_attr, batch_indices, W_edge, W_enc,
           W_lin, b_lin):
    del pos
    N, D = x.shape
    G = 64

    gate = _gate(edge_attr, W_edge)
    src = edge_index[0]
    dst = edge_index[1]
    agg_parts, deg_parts = _sc_edge_aggregate(x, src, dst, gate)
    out = _head(x, agg_parts[0], agg_parts[1], deg_parts.T,
                batch_indices, W_enc, W_lin, b_lin, G)
    return out

# --- scband reference (transcript-rebuilt; emitter-appended) ---
"""Pipeline reference for scband-linear-regression-head-52149492908464 (READ-ONLY COPY).

The authoritative reference and input builder live on the scoring server;
editing this copy changes nothing except your own understanding.
"""

import jax, jax.numpy as jnp
import numpy as np

N = 10000
E = 320000
D = 128
DE = 16
G = 64


def setup_inputs(seed: int = 0) -> dict:
    key = jax.random.key(seed)
    ks = jax.random.split(key, 8)
    x = jax.random.normal(ks[0], (N, D), dtype=jnp.float32)
    pos = jax.random.normal(ks[1], (N, 3), dtype=jnp.float32)
    edge_index = jax.random.randint(ks[2], (2, E), 0, N, dtype=jnp.int32)
    edge_attr = jax.random.normal(ks[3], (E, DE), dtype=jnp.float32)
    batch_indices = jnp.sort(jax.random.randint(ks[4], (N,), 0, G, dtype=jnp.int32))
    W_edge = jax.random.normal(ks[5], (DE, D), dtype=jnp.float32) * 0.05
    W_enc = jax.random.normal(ks[6], (D, D), dtype=jnp.float32) * (1.0 / np.sqrt(D))
    W_lin = jax.random.normal(ks[7], (D, 1), dtype=jnp.float32) * (1.0 / np.sqrt(D))
    b_lin = jnp.zeros((1,), dtype=jnp.float32)
    return {"x": x, "pos": pos, "edge_index": edge_index, "edge_attr": edge_attr,
            "batch_indices": batch_indices, "W_edge": W_edge, "W_enc": W_enc,
            "W_lin": W_lin, "b_lin": b_lin}


def reference(x, pos, edge_index, edge_attr, batch_indices, W_edge, W_enc, W_lin, b_lin):
    # --- encoder (stub GNN: edge-gated mean aggregation + linear + relu) ---
    src = edge_index[0]
    dst = edge_index[1]
    gate = jax.nn.sigmoid(edge_attr @ W_edge)            # [E, D]
    msgs = x[src] * gate                                  # gather + elementwise
    agg = jax.ops.segment_sum(msgs, dst, num_segments=N)  # scatter-add
    deg = jax.ops.segment_sum(jnp.ones((E,), x.dtype), dst, num_segments=N)
    agg = agg / jnp.maximum(deg, 1.0)[:, None]
    h = jax.nn.relu((x + agg) @ W_enc)                    # [N, D]
    # encoder returns (h, aux); aux is discarded by the head
    # --- global_mean_pool(h, batch_indices) ---
    sums = jax.ops.segment_sum(h, batch_indices, num_segments=G)
    cnt = jax.ops.segment_sum(jnp.ones((N,), h.dtype), batch_indices, num_segments=G)
    pooled = sums / jnp.maximum(cnt, 1.0)[:, None]        # [G, D]
    # --- linear regression head ---
    out = pooled @ W_lin + b_lin                          # [G, 1]
    return out

if __name__ == "__main__":
    import jax
    _d = setup_inputs()
    print(jax.jit(kernel)(*tuple(_d.values())))

</pallas_src>

<mosaic_0001>
#map = affine_map<(d0, d1) -> (0, 0)>
#map1 = affine_map<(d0, d1) -> (0)>
#map2 = affine_map<(d0, d1) -> (0, 0, 0)>
module attributes {stable_mosaic.version = 14 : i64} {
  func.func @sc_kernel(%arg0: i32, %arg1: i32, %arg2: memref<10000x128xf32, #tpu.memory_space<hbm>>, %arg3: memref<320000xi32, #tpu.memory_space<hbm>>, %arg4: memref<320000xi32, #tpu.memory_space<hbm>>, %arg5: memref<320000x128xf32, #tpu.memory_space<hbm>>, %arg6: memref<128x128xf32, #tpu.memory_space<hbm>>, %arg7: memref<10000xf32, #tpu.memory_space<hbm>>, %arg8: memref<2x10000x128xf32, #tpu.memory_space<hbm>>, %arg9: memref<32x10000xf32, #tpu.memory_space<hbm>>, %arg10: memref<128xi32, #tpu.memory_space<vmem>>, %arg11: memref<128xi32, #tpu.memory_space<vmem>>, %arg12: memref<16xi32, #tpu.memory_space<vmem>>, %arg13: memref<16xi32, #tpu.memory_space<vmem>>, %arg14: memref<128x128xf32, #tpu.memory_space<vmem>>, %arg15: memref<128x128xf32, #tpu.memory_space<vmem>>, %arg16: memref<10000xf32, #tpu.memory_space<vmem>>, %arg17: memref<10000x128xf32, #tpu.memory_space<vmem_shared>>, %arg18: memref<!tpu.dma_semaphore, #tpu.memory_space<semaphore_mem>>) attributes {dimension_semantics = [#tpu.dimension_semantics<core_parallel>, #tpu.dimension_semantics<subcore_parallel>], iteration_bounds = array<i64: 2, 16>, scalar_prefetch = 0 : i64, scratch_operands = 9 : i64, tpu.core_type = #tpu.core_type<sc_vector_subcore>, window_params = [{transform_indices = #map}, {transform_indices = #map1}, {transform_indices = #map1}, {transform_indices = #map}, {transform_indices = #map}, {transform_indices = #map1}, {transform_indices = #map2}, {transform_indices = #map}]} {
    "tpu.region"() ({
      %run_scoped3A = tpu.sem_alloc : memref<!tpu.dma_semaphore, #tpu.memory_space<semaphore_mem>>
      tpu.enqueue_dma source(%arg6 : memref<128x128xf32, #tpu.memory_space<hbm>>) target(%arg14 : memref<128x128xf32, #tpu.memory_space<vmem>>) target_semaphore(%run_scoped3A : memref<!tpu.dma_semaphore, #tpu.memory_space<semaphore_mem>>)
      tpu.wait_dma2 semaphore(%run_scoped3A : memref<!tpu.dma_semaphore, #tpu.memory_space<semaphore_mem>>) src(%arg6 : memref<128x128xf32, #tpu.memory_space<hbm>>) dst(%arg14 : memref<128x128xf32, #tpu.memory_space<vmem>>)
      tpu.yield
    }) : () -> ()
    "tpu.region"() ({
      %run_scoped3A = tpu.sem_alloc : memref<!tpu.dma_semaphore, #tpu.memory_space<semaphore_mem>>
      tpu.enqueue_dma source(%arg7 : memref<10000xf32, #tpu.memory_space<hbm>>) target(%arg16 : memref<10000xf32, #tpu.memory_space<vmem>>) target_semaphore(%run_scoped3A : memref<!tpu.dma_semaphore, #tpu.memory_space<semaphore_mem>>)
      tpu.wait_dma2 semaphore(%run_scoped3A : memref<!tpu.dma_semaphore, #tpu.memory_space<semaphore_mem>>) src(%arg7 : memref<10000xf32, #tpu.memory_space<hbm>>) dst(%arg16 : memref<10000xf32, #tpu.memory_space<vmem>>)
      tpu.yield
    }) : () -> ()
    %mul3A = arith.constant 625 : i32
    %mul3A_0 = arith.muli %arg1, %mul3A : i32
    %add3A = arith.constant 0 : i32
    %add3A_1 = arith.addi %mul3A_0, %add3A : i32
    "tpu.region"() ({
      %run_scoped3A = tpu.sem_alloc : memref<!tpu.dma_semaphore, #tpu.memory_space<semaphore_mem>>
      %dma_start3A_69 = arith.constant 0 : i32
      %dma_start3A_70 = arith.constant 0 : i32
      %dma_start3A_71 = tpu.memref_slice %arg14[%dma_start3A_69, %dma_start3A_70] : memref<128x128xf32, #tpu.memory_space<vmem>> -> memref<125x128xf32, #tpu.memory_space<vmem>>
      %dma_start3A_72 = arith.constant 0 : i32
      %dma_start3A_73 = tpu.memref_slice %arg17[%add3A_1, %dma_start3A_72] : memref<10000x128xf32, #tpu.memory_space<vmem_shared>> -> memref<125x128xf32, #tpu.memory_space<vmem_shared>>
      %dma_start3A_74 = arith.constant 0 : i32
      %dma_start3A_75 = tpu.memref_slice %arg17[%add3A_1, %dma_start3A_74] : memref<10000x128xf32, #tpu.memory_space<vmem_shared>> -> memref<125x128xf32, #tpu.memory_space<vmem_shared>>
      %dma_start3A_76 = arith.constant 0 : i32
      %dma_start3A_77 = arith.constant 0 : i32
      %dma_start3A_78 = tpu.memref_slice %arg14[%dma_start3A_76, %dma_start3A_77] : memref<128x128xf32, #tpu.memory_space<vmem>> -> memref<125x128xf32, #tpu.memory_space<vmem>>
      tpu.enqueue_dma source(%dma_start3A_78 : memref<125x128xf32, #tpu.memory_space<vmem>>) target(%dma_start3A_75 : memref<125x128xf32, #tpu.memory_space<vmem_shared>>) target_semaphore(%run_scoped3A : memref<!tpu.dma_semaphore, #tpu.memory_space<semaphore_mem>>)
      %dma_wait3A_79 = arith.constant 0 : i32
      %dma_wait3A_80 = arith.constant 0 : i32
      %dma_wait3A_81 = tpu.memref_slice %arg14[%dma_wait3A_79, %dma_wait3A_80] : memref<128x128xf32, #tpu.memory_space<vmem>> -> memref<125x128xf32, #tpu.memory_space<vmem>>
      %dma_wait3A_82 = arith.constant 0 : i32
      %dma_wait3A_83 = tpu.memref_slice %arg17[%add3A_1, %dma_wait3A_82] : memref<10000x128xf32, #tpu.memory_space<vmem_shared>> -> memref<125x128xf32, #tpu.memory_space<vmem_shared>>
      %dma_wait3A_84 = arith.constant 0 : i32
      %dma_wait3A_85 = tpu.memref_slice %arg17[%add3A_1, %dma_wait3A_84] : memref<10000x128xf32, #tpu.memory_space<vmem_shared>> -> memref<125x128xf32, #tpu.memory_space<vmem_shared>>
      %dma_wait3A_86 = arith.constant 0 : i32
      %dma_wait3A_87 = arith.constant 0 : i32
      %dma_wait3A_88 = tpu.memref_slice %arg14[%dma_wait3A_86, %dma_wait3A_87] : memref<128x128xf32, #tpu.memory_space<vmem>> -> memref<125x128xf32, #tpu.memory_space<vmem>>
      tpu.wait_dma2 semaphore(%run_scoped3A : memref<!tpu.dma_semaphore, #tpu.memory_space<semaphore_mem>>) src(%dma_wait3A_88 : memref<125x128xf32, #tpu.memory_space<vmem>>) dst(%dma_wait3A_85 : memref<125x128xf32, #tpu.memory_space<vmem_shared>>)
      tpu.yield
    }) : () -> ()
    %mul3A_2 = arith.constant 625 : i32
    %mul3A_3 = arith.muli %arg1, %mul3A_2 : i32
    %add3A_4 = arith.constant 125 : i32
    %add3A_5 = arith.addi %mul3A_3, %add3A_4 : i32
    "tpu.region"() ({
      %run_scoped3A = tpu.sem_alloc : memref<!tpu.dma_semaphore, #tpu.memory_space<semaphore_mem>>
      %dma_start3A_69 = arith.constant 0 : i32
      %dma_start3A_70 = arith.constant 0 : i32
      %dma_start3A_71 = tpu.memref_slice %arg14[%dma_start3A_69, %dma_start3A_70] : memref<128x128xf32, #tpu.memory_space<vmem>> -> memref<125x128xf32, #tpu.memory_space<vmem>>
      %dma_start3A_72 = arith.constant 0 : i32
      %dma_start3A_73 = tpu.memref_slice %arg17[%add3A_5, %dma_start3A_72] : memref<10000x128xf32, #tpu.memory_space<vmem_shared>> -> memref<125x128xf32, #tpu.memory_space<vmem_shared>>
      %dma_start3A_74 = arith.constant 0 : i32
      %dma_start3A_75 = tpu.memref_slice %arg17[%add3A_5, %dma_start3A_74] : memref<10000x128xf32, #tpu.memory_space<vmem_shared>> -> memref<125x128xf32, #tpu.memory_space<vmem_shared>>
      %dma_start3A_76 = arith.constant 0 : i32
      %dma_start3A_77 = arith.constant 0 : i32
      %dma_start3A_78 = tpu.memref_slice %arg14[%dma_start3A_76, %dma_start3A_77] : memref<128x128xf32, #tpu.memory_space<vmem>> -> memref<125x128xf32, #tpu.memory_space<vmem>>
      tpu.enqueue_dma source(%dma_start3A_78 : memref<125x128xf32, #tpu.memory_space<vmem>>) target(%dma_start3A_75 : memref<125x128xf32, #tpu.memory_space<vmem_shared>>) target_semaphore(%run_scoped3A : memref<!tpu.dma_semaphore, #tpu.memory_space<semaphore_mem>>)
      %dma_wait3A_79 = arith.constant 0 : i32
      %dma_wait3A_80 = arith.constant 0 : i32
      %dma_wait3A_81 = tpu.memref_slice %arg14[%dma_wait3A_79, %dma_wait3A_80] : memref<128x128xf32, #tpu.memory_space<vmem>> -> memref<125x128xf32, #tpu.memory_space<vmem>>
      %dma_wait3A_82 = arith.constant 0 : i32
      %dma_wait3A_83 = tpu.memref_slice %arg17[%add3A_5, %dma_wait3A_82] : memref<10000x128xf32, #tpu.memory_space<vmem_shared>> -> memref<125x128xf32, #tpu.memory_space<vmem_shared>>
      %dma_wait3A_84 = arith.constant 0 : i32
      %dma_wait3A_85 = tpu.memref_slice %arg17[%add3A_5, %dma_wait3A_84] : memref<10000x128xf32, #tpu.memory_space<vmem_shared>> -> memref<125x128xf32, #tpu.memory_space<vmem_shared>>
      %dma_wait3A_86 = arith.constant 0 : i32
      %dma_wait3A_87 = arith.constant 0 : i32
      %dma_wait3A_88 = tpu.memref_slice %arg14[%dma_wait3A_86, %dma_wait3A_87] : memref<128x128xf32, #tpu.memory_space<vmem>> -> memref<125x128xf32, #tpu.memory_space<vmem>>
      tpu.wait_dma2 semaphore(%run_scoped3A : memref<!tpu.dma_semaphore, #tpu.memory_space<semaphore_mem>>) src(%dma_wait3A_88 : memref<125x128xf32, #tpu.memory_space<vmem>>) dst(%dma_wait3A_85 : memref<125x128xf32, #tpu.memory_space<vmem_shared>>)
      tpu.yield
    }) : () -> ()
    %mul3A_6 = arith.constant 625 : i32
    %mul3A_7 = arith.muli %arg1, %mul3A_6 : i32
    %add3A_8 = arith.constant 250 : i32
    %add3A_9 = arith.addi %mul3A_7, %add3A_8 : i32
    "tpu.region"() ({
      %run_scoped3A = tpu.sem_alloc : memref<!tpu.dma_semaphore, #tpu.memory_space<semaphore_mem>>
      %dma_start3A_69 = arith.constant 0 : i32
      %dma_start3A_70 = arith.constant 0 : i32
      %dma_start3A_71 = tpu.memref_slice %arg14[%dma_start3A_69, %dma_start3A_70] : memref<128x128xf32, #tpu.memory_space<vmem>> -> memref<125x128xf32, #tpu.memory_space<vmem>>
      %dma_start3A_72 = arith.constant 0 : i32
      %dma_start3A_73 = tpu.memref_slice %arg17[%add3A_9, %dma_start3A_72] : memref<10000x128xf32, #tpu.memory_space<vmem_shared>> -> memref<125x128xf32, #tpu.memory_space<vmem_shared>>
      %dma_start3A_74 = arith.constant 0 : i32
      %dma_start3A_75 = tpu.memref_slice %arg17[%add3A_9, %dma_start3A_74] : memref<10000x128xf32, #tpu.memory_space<vmem_shared>> -> memref<125x128xf32, #tpu.memory_space<vmem_shared>>
      %dma_start3A_76 = arith.constant 0 : i32
      %dma_start3A_77 = arith.constant 0 : i32
      %dma_start3A_78 = tpu.memref_slice %arg14[%dma_start3A_76, %dma_start3A_77] : memref<128x128xf32, #tpu.memory_space<vmem>> -> memref<125x128xf32, #tpu.memory_space<vmem>>
      tpu.enqueue_dma source(%dma_start3A_78 : memref<125x128xf32, #tpu.memory_space<vmem>>) target(%dma_start3A_75 : memref<125x128xf32, #tpu.memory_space<vmem_shared>>) target_semaphore(%run_scoped3A : memref<!tpu.dma_semaphore, #tpu.memory_space<semaphore_mem>>)
      %dma_wait3A_79 = arith.constant 0 : i32
      %dma_wait3A_80 = arith.constant 0 : i32
      %dma_wait3A_81 = tpu.memref_slice %arg14[%dma_wait3A_79, %dma_wait3A_80] : memref<128x128xf32, #tpu.memory_space<vmem>> -> memref<125x128xf32, #tpu.memory_space<vmem>>
      %dma_wait3A_82 = arith.constant 0 : i32
      %dma_wait3A_83 = tpu.memref_slice %arg17[%add3A_9, %dma_wait3A_82] : memref<10000x128xf32, #tpu.memory_space<vmem_shared>> -> memref<125x128xf32, #tpu.memory_space<vmem_shared>>
      %dma_wait3A_84 = arith.constant 0 : i32
      %dma_wait3A_85 = tpu.memref_slice %arg17[%add3A_9, %dma_wait3A_84] : memref<10000x128xf32, #tpu.memory_space<vmem_shared>> -> memref<125x128xf32, #tpu.memory_space<vmem_shared>>
      %dma_wait3A_86 = arith.constant 0 : i32
      %dma_wait3A_87 = arith.constant 0 : i32
      %dma_wait3A_88 = tpu.memref_slice %arg14[%dma_wait3A_86, %dma_wait3A_87] : memref<128x128xf32, #tpu.memory_space<vmem>> -> memref<125x128xf32, #tpu.memory_space<vmem>>
      tpu.wait_dma2 semaphore(%run_scoped3A : memref<!tpu.dma_semaphore, #tpu.memory_space<semaphore_mem>>) src(%dma_wait3A_88 : memref<125x128xf32, #tpu.memory_space<vmem>>) dst(%dma_wait3A_85 : memref<125x128xf32, #tpu.memory_space<vmem_shared>>)
      tpu.yield
    }) : () -> ()
    %mul3A_10 = arith.constant 625 : i32
    %mul3A_11 = arith.muli %arg1, %mul3A_10 : i32
    %add3A_12 = arith.constant 375 : i32
    %add3A_13 = arith.addi %mul3A_11, %add3A_12 : i32
    "tpu.region"() ({
      %run_scoped3A = tpu.sem_alloc : memref<!tpu.dma_semaphore, #tpu.memory_space<semaphore_mem>>
      %dma_start3A_69 = arith.constant 0 : i32
      %dma_start3A_70 = arith.constant 0 : i32
      %dma_start3A_71 = tpu.memref_slice %arg14[%dma_start3A_69, %dma_start3A_70] : memref<128x128xf32, #tpu.memory_space<vmem>> -> memref<125x128xf32, #tpu.memory_space<vmem>>
      %dma_start3A_72 = arith.constant 0 : i32
      %dma_start3A_73 = tpu.memref_slice %arg17[%add3A_13, %dma_start3A_72] : memref<10000x128xf32, #tpu.memory_space<vmem_shared>> -> memref<125x128xf32, #tpu.memory_space<vmem_shared>>
      %dma_start3A_74 = arith.constant 0 : i32
      %dma_start3A_75 = tpu.memref_slice %arg17[%add3A_13, %dma_start3A_74] : memref<10000x128xf32, #tpu.memory_space<vmem_shared>> -> memref<125x128xf32, #tpu.memory_space<vmem_shared>>
      %dma_start3A_76 = arith.constant 0 : i32
      %dma_start3A_77 = arith.constant 0 : i32
      %dma_start3A_78 = tpu.memref_slice %arg14[%dma_start3A_76, %dma_start3A_77] : memref<128x128xf32, #tpu.memory_space<vmem>> -> memref<125x128xf32, #tpu.memory_space<vmem>>
      tpu.enqueue_dma source(%dma_start3A_78 : memref<125x128xf32, #tpu.memory_space<vmem>>) target(%dma_start3A_75 : memref<125x128xf32, #tpu.memory_space<vmem_shared>>) target_semaphore(%run_scoped3A : memref<!tpu.dma_semaphore, #tpu.memory_space<semaphore_mem>>)
      %dma_wait3A_79 = arith.constant 0 : i32
      %dma_wait3A_80 = arith.constant 0 : i32
      %dma_wait3A_81 = tpu.memref_slice %arg14[%dma_wait3A_79, %dma_wait3A_80] : memref<128x128xf32, #tpu.memory_space<vmem>> -> memref<125x128xf32, #tpu.memory_space<vmem>>
      %dma_wait3A_82 = arith.constant 0 : i32
      %dma_wait3A_83 = tpu.memref_slice %arg17[%add3A_13, %dma_wait3A_82] : memref<10000x128xf32, #tpu.memory_space<vmem_shared>> -> memref<125x128xf32, #tpu.memory_space<vmem_shared>>
      %dma_wait3A_84 = arith.constant 0 : i32
      %dma_wait3A_85 = tpu.memref_slice %arg17[%add3A_13, %dma_wait3A_84] : memref<10000x128xf32, #tpu.memory_space<vmem_shared>> -> memref<125x128xf32, #tpu.memory_space<vmem_shared>>
      %dma_wait3A_86 = arith.constant 0 : i32
      %dma_wait3A_87 = arith.constant 0 : i32
      %dma_wait3A_88 = tpu.memref_slice %arg14[%dma_wait3A_86, %dma_wait3A_87] : memref<128x128xf32, #tpu.memory_space<vmem>> -> memref<125x128xf32, #tpu.memory_space<vmem>>
      tpu.wait_dma2 semaphore(%run_scoped3A : memref<!tpu.dma_semaphore, #tpu.memory_space<semaphore_mem>>) src(%dma_wait3A_88 : memref<125x128xf32, #tpu.memory_space<vmem>>) dst(%dma_wait3A_85 : memref<125x128xf32, #tpu.memory_space<vmem_shared>>)
      tpu.yield
    }) : () -> ()
    %mul3A_14 = arith.constant 625 : i32
    %mul3A_15 = arith.muli %arg1, %mul3A_14 : i32
    %add3A_16 = arith.constant 500 : i32
    %add3A_17 = arith.addi %mul3A_15, %add3A_16 : i32
    "tpu.region"() ({
      %run_scoped3A = tpu.sem_alloc : memref<!tpu.dma_semaphore, #tpu.memory_space<semaphore_mem>>
      %dma_start3A_69 = arith.constant 0 : i32
      %dma_start3A_70 = arith.constant 0 : i32
      %dma_start3A_71 = tpu.memref_slice %arg14[%dma_start3A_69, %dma_start3A_70] : memref<128x128xf32, #tpu.memory_space<vmem>> -> memref<125x128xf32, #tpu.memory_space<vmem>>
      %dma_start3A_72 = arith.constant 0 : i32
      %dma_start3A_73 = tpu.memref_slice %arg17[%add3A_17, %dma_start3A_72] : memref<10000x128xf32, #tpu.memory_space<vmem_shared>> -> memref<125x128xf32, #tpu.memory_space<vmem_shared>>
      %dma_start3A_74 = arith.constant 0 : i32
      %dma_start3A_75 = tpu.memref_slice %arg17[%add3A_17, %dma_start3A_74] : memref<10000x128xf32, #tpu.memory_space<vmem_shared>> -> memref<125x128xf32, #tpu.memory_space<vmem_shared>>
      %dma_start3A_76 = arith.constant 0 : i32
      %dma_start3A_77 = arith.constant 0 : i32
      %dma_start3A_78 = tpu.memref_slice %arg14[%dma_start3A_76, %dma_start3A_77] : memref<128x128xf32, #tpu.memory_space<vmem>> -> memref<125x128xf32, #tpu.memory_space<vmem>>
      tpu.enqueue_dma source(%dma_start3A_78 : memref<125x128xf32, #tpu.memory_space<vmem>>) target(%dma_start3A_75 : memref<125x128xf32, #tpu.memory_space<vmem_shared>>) target_semaphore(%run_scoped3A : memref<!tpu.dma_semaphore, #tpu.memory_space<semaphore_mem>>)
      %dma_wait3A_79 = arith.constant 0 : i32
      %dma_wait3A_80 = arith.constant 0 : i32
      %dma_wait3A_81 = tpu.memref_slice %arg14[%dma_wait3A_79, %dma_wait3A_80] : memref<128x128xf32, #tpu.memory_space<vmem>> -> memref<125x128xf32, #tpu.memory_space<vmem>>
      %dma_wait3A_82 = arith.constant 0 : i32
      %dma_wait3A_83 = tpu.memref_slice %arg17[%add3A_17, %dma_wait3A_82] : memref<10000x128xf32, #tpu.memory_space<vmem_shared>> -> memref<125x128xf32, #tpu.memory_space<vmem_shared>>
      %dma_wait3A_84 = arith.constant 0 : i32
      %dma_wait3A_85 = tpu.memref_slice %arg17[%add3A_17, %dma_wait3A_84] : memref<10000x128xf32, #tpu.memory_space<vmem_shared>> -> memref<125x128xf32, #tpu.memory_space<vmem_shared>>
      %dma_wait3A_86 = arith.constant 0 : i32
      %dma_wait3A_87 = arith.constant 0 : i32
      %dma_wait3A_88 = tpu.memref_slice %arg14[%dma_wait3A_86, %dma_wait3A_87] : memref<128x128xf32, #tpu.memory_space<vmem>> -> memref<125x128xf32, #tpu.memory_space<vmem>>
      tpu.wait_dma2 semaphore(%run_scoped3A : memref<!tpu.dma_semaphore, #tpu.memory_space<semaphore_mem>>) src(%dma_wait3A_88 : memref<125x128xf32, #tpu.memory_space<vmem>>) dst(%dma_wait3A_85 : memref<125x128xf32, #tpu.memory_space<vmem_shared>>)
      tpu.yield
    }) : () -> ()
    %barrier3A = arith.constant 0 : index
    tpu.barrier barrier_id(%barrier3A)
    %mul3A_18 = arith.constant 16 : i32
    %mul3A_19 = arith.muli %arg0, %mul3A_18 : i32
    %add3A_20 = arith.addi %mul3A_19, %arg1 : i32
    %mul3A_21 = arith.constant 10000 : i32
    %mul3A_22 = arith.muli %add3A_20, %mul3A_21 : i32
    %broadcast_in_dim3A = arith.constant 1.000000e+00 : f32
    %broadcast_in_dim3A_23 = vector.broadcast %broadcast_in_dim3A : f32 to vector<16xf32>
    %scan3A = arith.constant 0 : i32
    %scan3A_24 = arith.constant 0 : i32
    %scan3A_25 = arith.constant 78 : i32
    %scan3A_26 = arith.addi %scan3A_24, %scan3A_25 : i32
    %scan3A_27 = arith.constant 1 : i32
    scf.for %scan3A_69 = %scan3A_24 to %scan3A_26 step %scan3A_27  : i32 {
      %mul3A_70 = arith.constant 128 : i32
      %mul3A_71 = arith.muli %scan3A_69, %mul3A_70 : i32
      %add3A_72 = arith.addi %mul3A_22, %mul3A_71 : i32
      "tpu.region"() ({
        %run_scoped3A = tpu.sem_alloc : memref<!tpu.dma_semaphore, #tpu.memory_space<semaphore_mem>>
        %dma_start3A_107 = tpu.memref_slice %arg3[%add3A_72] : memref<320000xi32, #tpu.memory_space<hbm>> -> memref<128xi32, #tpu.memory_space<hbm>>
        %dma_start3A_108 = tpu.memref_slice %arg3[%add3A_72] : memref<320000xi32, #tpu.memory_space<hbm>> -> memref<128xi32, #tpu.memory_space<hbm>>
        tpu.enqueue_dma source(%dma_start3A_108 : memref<128xi32, #tpu.memory_space<hbm>>) target(%arg10 : memref<128xi32, #tpu.memory_space<vmem>>) target_semaphore(%run_scoped3A : memref<!tpu.dma_semaphore, #tpu.memory_space<semaphore_mem>>)
        %dma_wait3A_109 = tpu.memref_slice %arg3[%add3A_72] : memref<320000xi32, #tpu.memory_space<hbm>> -> memref<128xi32, #tpu.memory_space<hbm>>
        %dma_wait3A_110 = tpu.memref_slice %arg3[%add3A_72] : memref<320000xi32, #tpu.memory_space<hbm>> -> memref<128xi32, #tpu.memory_space<hbm>>
        tpu.wait_dma2 semaphore(%run_scoped3A : memref<!tpu.dma_semaphore, #tpu.memory_space<semaphore_mem>>) src(%dma_wait3A_110 : memref<128xi32, #tpu.memory_space<hbm>>) dst(%arg10 : memref<128xi32, #tpu.memory_space<vmem>>)
        tpu.yield
      }) : () -> ()
      "tpu.region"() ({
        %run_scoped3A = tpu.sem_alloc : memref<!tpu.dma_semaphore, #tpu.memory_space<semaphore_mem>>
        %dma_start3A_107 = tpu.memref_slice %arg4[%add3A_72] : memref<320000xi32, #tpu.memory_space<hbm>> -> memref<128xi32, #tpu.memory_space<hbm>>
        %dma_start3A_108 = tpu.memref_slice %arg4[%add3A_72] : memref<320000xi32, #tpu.memory_space<hbm>> -> memref<128xi32, #tpu.memory_space<hbm>>
        tpu.enqueue_dma source(%dma_start3A_108 : memref<128xi32, #tpu.memory_space<hbm>>) target(%arg11 : memref<128xi32, #tpu.memory_space<vmem>>) target_semaphore(%run_scoped3A : memref<!tpu.dma_semaphore, #tpu.memory_space<semaphore_mem>>)
        %dma_wait3A_109 = tpu.memref_slice %arg4[%add3A_72] : memref<320000xi32, #tpu.memory_space<hbm>> -> memref<128xi32, #tpu.memory_space<hbm>>
        %dma_wait3A_110 = tpu.memref_slice %arg4[%add3A_72] : memref<320000xi32, #tpu.memory_space<hbm>> -> memref<128xi32, #tpu.memory_space<hbm>>
        tpu.wait_dma2 semaphore(%run_scoped3A : memref<!tpu.dma_semaphore, #tpu.memory_space<semaphore_mem>>) src(%dma_wait3A_110 : memref<128xi32, #tpu.memory_space<hbm>>) dst(%arg11 : memref<128xi32, #tpu.memory_space<vmem>>)
        tpu.yield
      }) : () -> ()
      %dma_start3A_73 = arith.constant 0 : i32
      %dma_start3A_74 = arith.constant 0 : i32
      %dma_start3A_75 = tpu.memref_slice %arg14[%dma_start3A_73, %dma_start3A_74] : memref<128x128xf32, #tpu.memory_space<vmem>> -> memref<128x128xf32, #tpu.memory_space<vmem>>
      %dma_start3A_76 = arith.constant 0 : i32
      %dma_start3A_77 = arith.constant 0 : i32
      %dma_start3A_78 = tpu.memref_slice %arg2[%dma_start3A_76, %dma_start3A_77] : memref<10000x128xf32, #tpu.memory_space<hbm>> -> memref<10000x128xf32, #tpu.memory_space<hbm>>
      tpu.enqueue_indirect_dma source(%dma_start3A_78 : memref<10000x128xf32, #tpu.memory_space<hbm>>) target(%dma_start3A_75 : memref<128x128xf32, #tpu.memory_space<vmem>>) offsets(%arg10 : memref<128xi32, #tpu.memory_space<vmem>>) semaphore(%arg18 : memref<!tpu.dma_semaphore, #tpu.memory_space<semaphore_mem>>)
      %dma_wait3A_79 = arith.constant 0 : i32
      %dma_wait3A_80 = arith.constant 0 : i32
      %dma_wait3A_81 = tpu.memref_slice %arg14[%dma_wait3A_79, %dma_wait3A_80] : memref<128x128xf32, #tpu.memory_space<vmem>> -> memref<128x128xf32, #tpu.memory_space<vmem>>
      %dma_wait3A_82 = arith.constant 0 : i32
      %dma_wait3A_83 = arith.constant 0 : i32
      %dma_wait3A_84 = tpu.memref_slice %arg2[%dma_wait3A_82, %dma_wait3A_83] : memref<10000x128xf32, #tpu.memory_space<hbm>> -> memref<10000x128xf32, #tpu.memory_space<hbm>>
      tpu.wait_indirect_dma semaphore(%arg18 : memref<!tpu.dma_semaphore, #tpu.memory_space<semaphore_mem>>) src(%dma_wait3A_84 : memref<10000x128xf32, #tpu.memory_space<hbm>>) dst(%dma_wait3A_81 : memref<128x128xf32, #tpu.memory_space<vmem>>)
      "tpu.region"() ({
        %run_scoped3A = tpu.sem_alloc : memref<!tpu.dma_semaphore, #tpu.memory_space<semaphore_mem>>
        %dma_start3A_107 = arith.constant 0 : i32
        %dma_start3A_108 = arith.constant 0 : i32
        %dma_start3A_109 = tpu.memref_slice %arg15[%dma_start3A_107, %dma_start3A_108] : memref<128x128xf32, #tpu.memory_space<vmem>> -> memref<128x128xf32, #tpu.memory_space<vmem>>
        %dma_start3A_110 = arith.constant 0 : i32
        %dma_start3A_111 = tpu.memref_slice %arg5[%add3A_72, %dma_start3A_110] : memref<320000x128xf32, #tpu.memory_space<hbm>> -> memref<128x128xf32, #tpu.memory_space<hbm>>
        %dma_start3A_112 = arith.constant 0 : i32
        %dma_start3A_113 = arith.constant 0 : i32
        %dma_start3A_114 = tpu.memref_slice %arg15[%dma_start3A_112, %dma_start3A_113] : memref<128x128xf32, #tpu.memory_space<vmem>> -> memref<128x128xf32, #tpu.memory_space<vmem>>
        %dma_start3A_115 = arith.constant 0 : i32
        %dma_start3A_116 = tpu.memref_slice %arg5[%add3A_72, %dma_start3A_115] : memref<320000x128xf32, #tpu.memory_space<hbm>> -> memref<128x128xf32, #tpu.memory_space<hbm>>
        tpu.enqueue_dma source(%dma_start3A_116 : memref<128x128xf32, #tpu.memory_space<hbm>>) target(%dma_start3A_114 : memref<128x128xf32, #tpu.memory_space<vmem>>) target_semaphore(%run_scoped3A : memref<!tpu.dma_semaphore, #tpu.memory_space<semaphore_mem>>)
        %dma_wait3A_117 = arith.constant 0 : i32
        %dma_wait3A_118 = arith.constant 0 : i32
        %dma_wait3A_119 = tpu.memref_slice %arg15[%dma_wait3A_117, %dma_wait3A_118] : memref<128x128xf32, #tpu.memory_space<vmem>> -> memref<128x128xf32, #tpu.memory_space<vmem>>
        %dma_wait3A_120 = arith.constant 0 : i32
        %dma_wait3A_121 = tpu.memref_slice %arg5[%add3A_72, %dma_wait3A_120] : memref<320000x128xf32, #tpu.memory_space<hbm>> -> memref<128x128xf32, #tpu.memory_space<hbm>>
        %dma_wait3A_122 = arith.constant 0 : i32
        %dma_wait3A_123 = arith.constant 0 : i32
        %dma_wait3A_124 = tpu.memref_slice %arg15[%dma_wait3A_122, %dma_wait3A_123] : memref<128x128xf32, #tpu.memory_space<vmem>> -> memref<128x128xf32, #tpu.memory_space<vmem>>
        %dma_wait3A_125 = arith.constant 0 : i32
        %dma_wait3A_126 = tpu.memref_slice %arg5[%add3A_72, %dma_wait3A_125] : memref<320000x128xf32, #tpu.memory_space<hbm>> -> memref<128x128xf32, #tpu.memory_space<hbm>>
        tpu.wait_dma2 semaphore(%run_scoped3A : memref<!tpu.dma_semaphore, #tpu.memory_space<semaphore_mem>>) src(%dma_wait3A_126 : memref<128x128xf32, #tpu.memory_space<hbm>>) dst(%dma_wait3A_124 : memref<128x128xf32, #tpu.memory_space<vmem>>)
        tpu.yield
      }) : () -> ()
      %scan3A_85 = arith.constant 0 : i32
      %scan3A_86 = arith.constant 0 : i32
      %scan3A_87 = arith.constant 128 : i32
      %scan3A_88 = arith.addi %scan3A_86, %scan3A_87 : i32
      %scan3A_89 = arith.constant 1 : i32
      scf.for %scan3A_107 = %scan3A_86 to %scan3A_88 step %scan3A_89  : i32 {
        %get3A_108 = arith.index_cast %scan3A_107 : i32 to index
        %get3A_109 = arith.constant 0 : index
        %get3A_110 = tpu.vector_load %arg14[%get3A_108, %get3A_109] {strides = array<i32>} : memref<128x128xf32, #tpu.memory_space<vmem>>, vector<16xf32>,
        %get3A_111 = arith.index_cast %scan3A_107 : i32 to index
        %get3A_112 = arith.constant 0 : index
        %get3A_113 = tpu.vector_load %arg15[%get3A_111, %get3A_112] {strides = array<i32>} : memref<128x128xf32, #tpu.memory_space<vmem>>, vector<16xf32>,
        %mul3A_114 = arith.mulf %get3A_110, %get3A_113 : vector<16xf32>
        %swap3A = arith.index_cast %scan3A_107 : i32 to index
        %swap3A_115 = arith.constant 0 : index
        %swap3A_116 = tpu.vector_load %arg14[%swap3A, %swap3A_115] {strides = array<i32>} : memref<128x128xf32, #tpu.memory_space<vmem>>, vector<16xf32>,
        tpu.vector_store %arg14[%swap3A, %swap3A_115], %mul3A_114 {strides = array<i32>} : memref<128x128xf32, #tpu.memory_space<vmem>>, vector<16xf32>,
        %get3A_117 = arith.index_cast %scan3A_107 : i32 to index
        %get3A_118 = arith.constant 16 : index
        %get3A_119 = tpu.vector_load %arg14[%get3A_117, %get3A_118] {strides = array<i32>} : memref<128x128xf32, #tpu.memory_space<vmem>>, vector<16xf32>,
        %get3A_120 = arith.index_cast %scan3A_107 : i32 to index
        %get3A_121 = arith.constant 16 : index
        %get3A_122 = tpu.vector_load %arg15[%get3A_120, %get3A_121] {strides = array<i32>} : memref<128x128xf32, #tpu.memory_space<vmem>>, vector<16xf32>,
        %mul3A_123 = arith.mulf %get3A_119, %get3A_122 : vector<16xf32>
        %swap3A_124 = arith.index_cast %scan3A_107 : i32 to index
        %swap3A_125 = arith.constant 16 : index
        %swap3A_126 = tpu.vector_load %arg14[%swap3A_124, %swap3A_125] {strides = array<i32>} : memref<128x128xf32, #tpu.memory_space<vmem>>, vector<16xf32>,
        tpu.vector_store %arg14[%swap3A_124, %swap3A_125], %mul3A_123 {strides = array<i32>} : memref<128x128xf32, #tpu.memory_space<vmem>>, vector<16xf32>,
        %get3A_127 = arith.index_cast %scan3A_107 : i32 to index
        %get3A_128 = arith.constant 32 : index
        %get3A_129 = tpu.vector_load %arg14[%get3A_127, %get3A_128] {strides = array<i32>} : memref<128x128xf32, #tpu.memory_space<vmem>>, vector<16xf32>,
        %get3A_130 = arith.index_cast %scan3A_107 : i32 to index
        %get3A_131 = arith.constant 32 : index
        %get3A_132 = tpu.vector_load %arg15[%get3A_130, %get3A_131] {strides = array<i32>} : memref<128x128xf32, #tpu.memory_space<vmem>>, vector<16xf32>,
        %mul3A_133 = arith.mulf %get3A_129, %get3A_132 : vector<16xf32>
        %swap3A_134 = arith.index_cast %scan3A_107 : i32 to index
        %swap3A_135 = arith.constant 32 : index
        %swap3A_136 = tpu.vector_load %arg14[%swap3A_134, %swap3A_135] {strides = array<i32>} : memref<128x128xf32, #tpu.memory_space<vmem>>, vector<16xf32>,
        tpu.vector_store %arg14[%swap3A_134, %swap3A_135], %mul3A_133 {strides = array<i32>} : memref<128x128xf32, #tpu.memory_space<vmem>>, vector<16xf32>,
        %get3A_137 = arith.index_cast %scan3A_107 : i32 to index
        %get3A_138 = arith.constant 48 : index
        %get3A_139 = tpu.vector_load %arg14[%get3A_137, %get3A_138] {strides = array<i32>} : memref<128x128xf32, #tpu.memory_space<vmem>>, vector<16xf32>,
        %get3A_140 = arith.index_cast %scan3A_107 : i32 to index
        %get3A_141 = arith.constant 48 : index
        %get3A_142 = tpu.vector_load %arg15[%get3A_140, %get3A_141] {strides = array<i32>} : memref<128x128xf32, #tpu.memory_space<vmem>>, vector<16xf32>,
        %mul3A_143 = arith.mulf %get3A_139, %get3A_142 : vector<16xf32>
        %swap3A_144 = arith.index_cast %scan3A_107 : i32 to index
        %swap3A_145 = arith.constant 48 : index
        %swap3A_146 = tpu.vector_load %arg14[%swap3A_144, %swap3A_145] {strides = array<i32>} : memref<128x128xf32, #tpu.memory_space<vmem>>, vector<16xf32>,
        tpu.vector_store %arg14[%swap3A_144, %swap3A_145], %mul3A_143 {strides = array<i32>} : memref<128x128xf32, #tpu.memory_space<vmem>>, vector<16xf32>,
        %get3A_147 = arith.index_cast %scan3A_107 : i32 to index
        %get3A_148 = arith.constant 64 : index
        %get3A_149 = tpu.vector_load %arg14[%get3A_147, %get3A_148] {strides = array<i32>} : memref<128x128xf32, #tpu.memory_space<vmem>>, vector<16xf32>,
        %get3A_150 = arith.index_cast %scan3A_107 : i32 to index
        %get3A_151 = arith.constant 64 : index
        %get3A_152 = tpu.vector_load %arg15[%get3A_150, %get3A_151] {strides = array<i32>} : memref<128x128xf32, #tpu.memory_space<vmem>>, vector<16xf32>,
        %mul3A_153 = arith.mulf %get3A_149, %get3A_152 : vector<16xf32>
        %swap3A_154 = arith.index_cast %scan3A_107 : i32 to index
        %swap3A_155 = arith.constant 64 : index
        %swap3A_156 = tpu.vector_load %arg14[%swap3A_154, %swap3A_155] {strides = array<i32>} : memref<128x128xf32, #tpu.memory_space<vmem>>, vector<16xf32>,
        tpu.vector_store %arg14[%swap3A_154, %swap3A_155], %mul3A_153 {strides = array<i32>} : memref<128x128xf32, #tpu.memory_space<vmem>>, vector<16xf32>,
        %get3A_157 = arith.index_cast %scan3A_107 : i32 to index
        %get3A_158 = arith.constant 80 : index
        %get3A_159 = tpu.vector_load %arg14[%get3A_157, %get3A_158] {strides = array<i32>} : memref<128x128xf32, #tpu.memory_space<vmem>>, vector<16xf32>,
        %get3A_160 = arith.index_cast %scan3A_107 : i32 to index
        %get3A_161 = arith.constant 80 : index
        %get3A_162 = tpu.vector_load %arg15[%get3A_160, %get3A_161] {strides = array<i32>} : memref<128x128xf32, #tpu.memory_space<vmem>>, vector<16xf32>,
        %mul3A_163 = arith.mulf %get3A_159, %get3A_162 : vector<16xf32>
        %swap3A_164 = arith.index_cast %scan3A_107 : i32 to index
        %swap3A_165 = arith.constant 80 : index
        %swap3A_166 = tpu.vector_load %arg14[%swap3A_164, %swap3A_165] {strides = array<i32>} : memref<128x128xf32, #tpu.memory_space<vmem>>, vector<16xf32>,
        tpu.vector_store %arg14[%swap3A_164, %swap3A_165], %mul3A_163 {strides = array<i32>} : memref<128x128xf32, #tpu.memory_space<vmem>>, vector<16xf32>,
        %get3A_167 = arith.index_cast %scan3A_107 : i32 to index
        %get3A_168 = arith.constant 96 : index
        %get3A_169 = tpu.vector_load %arg14[%get3A_167, %get3A_168] {strides = array<i32>} : memref<128x128xf32, #tpu.memory_space<vmem>>, vector<16xf32>,
        %get3A_170 = arith.index_cast %scan3A_107 : i32 to index
        %get3A_171 = arith.constant 96 : index
        %get3A_172 = tpu.vector_load %arg15[%get3A_170, %get3A_171] {strides = array<i32>} : memref<128x128xf32, #tpu.memory_space<vmem>>, vector<16xf32>,
        %mul3A_173 = arith.mulf %get3A_169, %get3A_172 : vector<16xf32>
        %swap3A_174 = arith.index_cast %scan3A_107 : i32 to index
        %swap3A_175 = arith.constant 96 : index
        %swap3A_176 = tpu.vector_load %arg14[%swap3A_174, %swap3A_175] {strides = array<i32>} : memref<128x128xf32, #tpu.memory_space<vmem>>, vector<16xf32>,
        tpu.vector_store %arg14[%swap3A_174, %swap3A_175], %mul3A_173 {strides = array<i32>} : memref<128x128xf32, #tpu.memory_space<vmem>>, vector<16xf32>,
        %get3A_177 = arith.index_cast %scan3A_107 : i32 to index
        %get3A_178 = arith.constant 112 : index
        %get3A_179 = tpu.vector_load %arg14[%get3A_177, %get3A_178] {strides = array<i32>} : memref<128x128xf32, #tpu.memory_space<vmem>>, vector<16xf32>,
        %get3A_180 = arith.index_cast %scan3A_107 : i32 to index
        %get3A_181 = arith.constant 112 : index
        %get3A_182 = tpu.vector_load %arg15[%get3A_180, %get3A_181] {strides = array<i32>} : memref<128x128xf32, #tpu.memory_space<vmem>>, vector<16xf32>,
        %mul3A_183 = arith.mulf %get3A_179, %get3A_182 : vector<16xf32>
        %swap3A_184 = arith.index_cast %scan3A_107 : i32 to index
        %swap3A_185 = arith.constant 112 : index
        %swap3A_186 = tpu.vector_load %arg14[%swap3A_184, %swap3A_185] {strides = array<i32>} : memref<128x128xf32, #tpu.memory_space<vmem>>, vector<16xf32>,
        tpu.vector_store %arg14[%swap3A_184, %swap3A_185], %mul3A_183 {strides = array<i32>} : memref<128x128xf32, #tpu.memory_space<vmem>>, vector<16xf32>,
      }
      %scan3A_90 = arith.constant 128 : i32
      %get3A_91 = arith.constant 0 : index
      %get3A_92 = tpu.vector_load %arg11[%get3A_91] {strides = array<i32>} : memref<128xi32, #tpu.memory_space<vmem>>, vector<16xi32>,
      tpu.vector_store_idx %arg16[%get3A_92], %broadcast_in_dim3A_23 {add = true} : memref<10000xf32, #tpu.memory_space<vmem>>[vector<16xi32>], vector<16xf32>,
      %get3A_93 = arith.constant 16 : index
      %get3A_94 = tpu.vector_load %arg11[%get3A_93] {strides = array<i32>} : memref<128xi32, #tpu.memory_space<vmem>>, vector<16xi32>,
      tpu.vector_store_idx %arg16[%get3A_94], %broadcast_in_dim3A_23 {add = true} : memref<10000xf32, #tpu.memory_space<vmem>>[vector<16xi32>], vector<16xf32>,
      %get3A_95 = arith.constant 32 : index
      %get3A_96 = tpu.vector_load %arg11[%get3A_95] {strides = array<i32>} : memref<128xi32, #tpu.memory_space<vmem>>, vector<16xi32>,
      tpu.vector_store_idx %arg16[%get3A_96], %broadcast_in_dim3A_23 {add = true} : memref<10000xf32, #tpu.memory_space<vmem>>[vector<16xi32>], vector<16xf32>,
      %get3A_97 = arith.constant 48 : index
      %get3A_98 = tpu.vector_load %arg11[%get3A_97] {strides = array<i32>} : memref<128xi32, #tpu.memory_space<vmem>>, vector<16xi32>,
      tpu.vector_store_idx %arg16[%get3A_98], %broadcast_in_dim3A_23 {add = true} : memref<10000xf32, #tpu.memory_space<vmem>>[vector<16xi32>], vector<16xf32>,
      %get3A_99 = arith.constant 64 : index
      %get3A_100 = tpu.vector_load %arg11[%get3A_99] {strides = array<i32>} : memref<128xi32, #tpu.memory_space<vmem>>, vector<16xi32>,
      tpu.vector_store_idx %arg16[%get3A_100], %broadcast_in_dim3A_23 {add = true} : memref<10000xf32, #tpu.memory_space<vmem>>[vector<16xi32>], vector<16xf32>,
      %get3A_101 = arith.constant 80 : index
      %get3A_102 = tpu.vector_load %arg11[%get3A_101] {strides = array<i32>} : memref<128xi32, #tpu.memory_space<vmem>>, vector<16xi32>,
      tpu.vector_store_idx %arg16[%get3A_102], %broadcast_in_dim3A_23 {add = true} : memref<10000xf32, #tpu.memory_space<vmem>>[vector<16xi32>], vector<16xf32>,
      %get3A_103 = arith.constant 96 : index
      %get3A_104 = tpu.vector_load %arg11[%get3A_103] {strides = array<i32>} : memref<128xi32, #tpu.memory_space<vmem>>, vector<16xi32>,
      tpu.vector_store_idx %arg16[%get3A_104], %broadcast_in_dim3A_23 {add = true} : memref<10000xf32, #tpu.memory_space<vmem>>[vector<16xi32>], vector<16xf32>,
      %get3A_105 = arith.constant 112 : index
      %get3A_106 = tpu.vector_load %arg11[%get3A_105] {strides = array<i32>} : memref<128xi32, #tpu.memory_space<vmem>>, vector<16xi32>,
      tpu.vector_store_idx %arg16[%get3A_106], %broadcast_in_dim3A_23 {add = true} : memref<10000xf32, #tpu.memory_space<vmem>>[vector<16xi32>], vector<16xf32>,
      "tpu.region"() ({
        %run_scoped3A = tpu.sem_alloc : memref<!tpu.dma_semaphore, #tpu.memory_space<semaphore_mem>>
        %dma_start3A_107 = arith.constant 0 : i32
        %dma_start3A_108 = arith.constant 0 : i32
        %dma_start3A_109 = tpu.memref_slice %arg14[%dma_start3A_107, %dma_start3A_108] : memref<128x128xf32, #tpu.memory_space<vmem>> -> memref<128x128xf32, #tpu.memory_space<vmem>>
        %dma_start3A_110 = arith.constant 0 : i32
        %dma_start3A_111 = arith.constant 0 : i32
        %dma_start3A_112 = tpu.memref_slice %arg17[%dma_start3A_110, %dma_start3A_111] : memref<10000x128xf32, #tpu.memory_space<vmem_shared>> -> memref<10000x128xf32, #tpu.memory_space<vmem_shared>>
        tpu.enqueue_indirect_dma source(%dma_start3A_109 : memref<128x128xf32, #tpu.memory_space<vmem>>) target(%dma_start3A_112 : memref<10000x128xf32, #tpu.memory_space<vmem_shared>>) offsets(%arg11 : memref<128xi32, #tpu.memory_space<vmem>>) semaphore(%run_scoped3A : memref<!tpu.dma_semaphore, #tpu.memory_space<semaphore_mem>>) {add = true}
        %dma_wait3A_113 = arith.constant 0 : i32
        %dma_wait3A_114 = arith.constant 0 : i32
        %dma_wait3A_115 = tpu.memref_slice %arg14[%dma_wait3A_113, %dma_wait3A_114] : memref<128x128xf32, #tpu.memory_space<vmem>> -> memref<128x128xf32, #tpu.memory_space<vmem>>
        %dma_wait3A_116 = arith.constant 0 : i32
        %dma_wait3A_117 = arith.constant 0 : i32
        %dma_wait3A_118 = tpu.memref_slice %arg17[%dma_wait3A_116, %dma_wait3A_117] : memref<10000x128xf32, #tpu.memory_space<vmem_shared>> -> memref<10000x128xf32, #tpu.memory_space<vmem_shared>>
        tpu.wait_indirect_dma semaphore(%run_scoped3A : memref<!tpu.dma_semaphore, #tpu.memory_space<semaphore_mem>>) src(%dma_wait3A_115 : memref<128x128xf32, #tpu.memory_space<vmem>>) dst(%dma_wait3A_118 : memref<10000x128xf32, #tpu.memory_space<vmem_shared>>)
        tpu.yield
      }) : () -> ()
    }
    %scan3A_28 = arith.constant 78 : i32
    %add3A_29 = arith.constant 9984 : i32
    %add3A_30 = arith.addi %mul3A_22, %add3A_29 : i32
    "tpu.region"() ({
      %run_scoped3A = tpu.sem_alloc : memref<!tpu.dma_semaphore, #tpu.memory_space<semaphore_mem>>
      %dma_start3A_69 = tpu.memref_slice %arg3[%add3A_30] : memref<320000xi32, #tpu.memory_space<hbm>> -> memref<16xi32, #tpu.memory_space<hbm>>
      %dma_start3A_70 = tpu.memref_slice %arg3[%add3A_30] : memref<320000xi32, #tpu.memory_space<hbm>> -> memref<16xi32, #tpu.memory_space<hbm>>
      tpu.enqueue_dma source(%dma_start3A_70 : memref<16xi32, #tpu.memory_space<hbm>>) target(%arg12 : memref<16xi32, #tpu.memory_space<vmem>>) target_semaphore(%run_scoped3A : memref<!tpu.dma_semaphore, #tpu.memory_space<semaphore_mem>>)
      %dma_wait3A_71 = tpu.memref_slice %arg3[%add3A_30] : memref<320000xi32, #tpu.memory_space<hbm>> -> memref<16xi32, #tpu.memory_space<hbm>>
      %dma_wait3A_72 = tpu.memref_slice %arg3[%add3A_30] : memref<320000xi32, #tpu.memory_space<hbm>> -> memref<16xi32, #tpu.memory_space<hbm>>
      tpu.wait_dma2 semaphore(%run_scoped3A : memref<!tpu.dma_semaphore, #tpu.memory_space<semaphore_mem>>) src(%dma_wait3A_72 : memref<16xi32, #tpu.memory_space<hbm>>) dst(%arg12 : memref<16xi32, #tpu.memory_space<vmem>>)
      tpu.yield
    }) : () -> ()
    "tpu.region"() ({
      %run_scoped3A = tpu.sem_alloc : memref<!tpu.dma_semaphore, #tpu.memory_space<semaphore_mem>>
      %dma_start3A_69 = tpu.memref_slice %arg4[%add3A_30] : memref<320000xi32, #tpu.memory_space<hbm>> -> memref<16xi32, #tpu.memory_space<hbm>>
      %dma_start3A_70 = tpu.memref_slice %arg4[%add3A_30] : memref<320000xi32, #tpu.memory_space<hbm>> -> memref<16xi32, #tpu.memory_space<hbm>>
      tpu.enqueue_dma source(%dma_start3A_70 : memref<16xi32, #tpu.memory_space<hbm>>) target(%arg13 : memref<16xi32, #tpu.memory_space<vmem>>) target_semaphore(%run_scoped3A : memref<!tpu.dma_semaphore, #tpu.memory_space<semaphore_mem>>)
      %dma_wait3A_71 = tpu.memref_slice %arg4[%add3A_30] : memref<320000xi32, #tpu.memory_space<hbm>> -> memref<16xi32, #tpu.memory_space<hbm>>
      %dma_wait3A_72 = tpu.memref_slice %arg4[%add3A_30] : memref<320000xi32, #tpu.memory_space<hbm>> -> memref<16xi32, #tpu.memory_space<hbm>>
      tpu.wait_dma2 semaphore(%run_scoped3A : memref<!tpu.dma_semaphore, #tpu.memory_space<semaphore_mem>>) src(%dma_wait3A_72 : memref<16xi32, #tpu.memory_space<hbm>>) dst(%arg13 : memref<16xi32, #tpu.memory_space<vmem>>)
      tpu.yield
    }) : () -> ()
    %dma_start3A = arith.constant 0 : i32
    %dma_start3A_31 = arith.constant 0 : i32
    %dma_start3A_32 = tpu.memref_slice %arg14[%dma_start3A, %dma_start3A_31] : memref<128x128xf32, #tpu.memory_space<vmem>> -> memref<16x128xf32, #tpu.memory_space<vmem>>
    %dma_start3A_33 = arith.constant 0 : i32
    %dma_start3A_34 = arith.constant 0 : i32
    %dma_start3A_35 = tpu.memref_slice %arg2[%dma_start3A_33, %dma_start3A_34] : memref<10000x128xf32, #tpu.memory_space<hbm>> -> memref<10000x128xf32, #tpu.memory_space<hbm>>
    tpu.enqueue_indirect_dma source(%dma_start3A_35 : memref<10000x128xf32, #tpu.memory_space<hbm>>) target(%dma_start3A_32 : memref<16x128xf32, #tpu.memory_space<vmem>>) offsets(%arg12 : memref<16xi32, #tpu.memory_space<vmem>>) semaphore(%arg18 : memref<!tpu.dma_semaphore, #tpu.memory_space<semaphore_mem>>)
    %dma_wait3A = arith.constant 0 : i32
    %dma_wait3A_36 = arith.constant 0 : i32
    %dma_wait3A_37 = tpu.memref_slice %arg14[%dma_wait3A, %dma_wait3A_36] : memref<128x128xf32, #tpu.memory_space<vmem>> -> memref<16x128xf32, #tpu.memory_space<vmem>>
    %dma_wait3A_38 = arith.constant 0 : i32
    %dma_wait3A_39 = arith.constant 0 : i32
    %dma_wait3A_40 = tpu.memref_slice %arg2[%dma_wait3A_38, %dma_wait3A_39] : memref<10000x128xf32, #tpu.memory_space<hbm>> -> memref<10000x128xf32, #tpu.memory_space<hbm>>
    tpu.wait_indirect_dma semaphore(%arg18 : memref<!tpu.dma_semaphore, #tpu.memory_space<semaphore_mem>>) src(%dma_wait3A_40 : memref<10000x128xf32, #tpu.memory_space<hbm>>) dst(%dma_wait3A_37 : memref<16x128xf32, #tpu.memory_space<vmem>>)
    "tpu.region"() ({
      %run_scoped3A = tpu.sem_alloc : memref<!tpu.dma_semaphore, #tpu.memory_space<semaphore_mem>>
      %dma_start3A_69 = arith.constant 0 : i32
      %dma_start3A_70 = arith.constant 0 : i32
      %dma_start3A_71 = tpu.memref_slice %arg15[%dma_start3A_69, %dma_start3A_70] : memref<128x128xf32, #tpu.memory_space<vmem>> -> memref<16x128xf32, #tpu.memory_space<vmem>>
      %dma_start3A_72 = arith.constant 0 : i32
      %dma_start3A_73 = tpu.memref_slice %arg5[%add3A_30, %dma_start3A_72] : memref<320000x128xf32, #tpu.memory_space<hbm>> -> memref<16x128xf32, #tpu.memory_space<hbm>>
      %dma_start3A_74 = arith.constant 0 : i32
      %dma_start3A_75 = arith.constant 0 : i32
      %dma_start3A_76 = tpu.memref_slice %arg15[%dma_start3A_74, %dma_start3A_75] : memref<128x128xf32, #tpu.memory_space<vmem>> -> memref<16x128xf32, #tpu.memory_space<vmem>>
      %dma_start3A_77 = arith.constant 0 : i32
      %dma_start3A_78 = tpu.memref_slice %arg5[%add3A_30, %dma_start3A_77] : memref<320000x128xf32, #tpu.memory_space<hbm>> -> memref<16x128xf32, #tpu.memory_space<hbm>>
      tpu.enqueue_dma source(%dma_start3A_78 : memref<16x128xf32, #tpu.memory_space<hbm>>) target(%dma_start3A_76 : memref<16x128xf32, #tpu.memory_space<vmem>>) target_semaphore(%run_scoped3A : memref<!tpu.dma_semaphore, #tpu.memory_space<semaphore_mem>>)
      %dma_wait3A_79 = arith.constant 0 : i32
      %dma_wait3A_80 = arith.constant 0 : i32
      %dma_wait3A_81 = tpu.memref_slice %arg15[%dma_wait3A_79, %dma_wait3A_80] : memref<128x128xf32, #tpu.memory_space<vmem>> -> memref<16x128xf32, #tpu.memory_space<vmem>>
      %dma_wait3A_82 = arith.constant 0 : i32
      %dma_wait3A_83 = tpu.memref_slice %arg5[%add3A_30, %dma_wait3A_82] : memref<320000x128xf32, #tpu.memory_space<hbm>> -> memref<16x128xf32, #tpu.memory_space<hbm>>
      %dma_wait3A_84 = arith.constant 0 : i32
      %dma_wait3A_85 = arith.constant 0 : i32
      %dma_wait3A_86 = tpu.memref_slice %arg15[%dma_wait3A_84, %dma_wait3A_85] : memref<128x128xf32, #tpu.memory_space<vmem>> -> memref<16x128xf32, #tpu.memory_space<vmem>>
      %dma_wait3A_87 = arith.constant 0 : i32
      %dma_wait3A_88 = tpu.memref_slice %arg5[%add3A_30, %dma_wait3A_87] : memref<320000x128xf32, #tpu.memory_space<hbm>> -> memref<16x128xf32, #tpu.memory_space<hbm>>
      tpu.wait_dma2 semaphore(%run_scoped3A : memref<!tpu.dma_semaphore, #tpu.memory_space<semaphore_mem>>) src(%dma_wait3A_88 : memref<16x128xf32, #tpu.memory_space<hbm>>) dst(%dma_wait3A_86 : memref<16x128xf32, #tpu.memory_space<vmem>>)
      tpu.yield
    }) : () -> ()
    %scan3A_41 = arith.constant 0 : i32
    %scan3A_42 = arith.constant 0 : i32
    %scan3A_43 = arith.constant 16 : i32
    %scan3A_44 = arith.addi %scan3A_42, %scan3A_43 : i32
    %scan3A_45 = arith.constant 1 : i32
    scf.for %scan3A_69 = %scan3A_42 to %scan3A_44 step %scan3A_45  : i32 {
      %get3A_70 = arith.index_cast %scan3A_69 : i32 to index
      %get3A_71 = arith.constant 0 : index
      %get3A_72 = tpu.vector_load %arg14[%get3A_70, %get3A_71] {strides = array<i32>} : memref<128x128xf32, #tpu.memory_space<vmem>>, vector<16xf32>,
      %get3A_73 = arith.index_cast %scan3A_69 : i32 to index
      %get3A_74 = arith.constant 0 : index
      %get3A_75 = tpu.vector_load %arg15[%get3A_73, %get3A_74] {strides = array<i32>} : memref<128x128xf32, #tpu.memory_space<vmem>>, vector<16xf32>,
      %mul3A_76 = arith.mulf %get3A_72, %get3A_75 : vector<16xf32>
      %swap3A = arith.index_cast %scan3A_69 : i32 to index
      %swap3A_77 = arith.constant 0 : index
      %swap3A_78 = tpu.vector_load %arg14[%swap3A, %swap3A_77] {strides = array<i32>} : memref<128x128xf32, #tpu.memory_space<vmem>>, vector<16xf32>,
      tpu.vector_store %arg14[%swap3A, %swap3A_77], %mul3A_76 {strides = array<i32>} : memref<128x128xf32, #tpu.memory_space<vmem>>, vector<16xf32>,
      %get3A_79 = arith.index_cast %scan3A_69 : i32 to index
      %get3A_80 = arith.constant 16 : index
      %get3A_81 = tpu.vector_load %arg14[%get3A_79, %get3A_80] {strides = array<i32>} : memref<128x128xf32, #tpu.memory_space<vmem>>, vector<16xf32>,
      %get3A_82 = arith.index_cast %scan3A_69 : i32 to index
      %get3A_83 = arith.constant 16 : index
      %get3A_84 = tpu.vector_load %arg15[%get3A_82, %get3A_83] {strides = array<i32>} : memref<128x128xf32, #tpu.memory_space<vmem>>, vector<16xf32>,
      %mul3A_85 = arith.mulf %get3A_81, %get3A_84 : vector<16xf32>
      %swap3A_86 = arith.index_cast %scan3A_69 : i32 to index
      %swap3A_87 = arith.constant 16 : index
      %swap3A_88 = tpu.vector_load %arg14[%swap3A_86, %swap3A_87] {strides = array<i32>} : memref<128x128xf32, #tpu.memory_space<vmem>>, vector<16xf32>,
      tpu.vector_store %arg14[%swap3A_86, %swap3A_87], %mul3A_85 {strides = array<i32>} : memref<128x128xf32, #tpu.memory_space<vmem>>, vector<16xf32>,
      %get3A_89 = arith.index_cast %scan3A_69 : i32 to index
      %get3A_90 = arith.constant 32 : index
      %get3A_91 = tpu.vector_load %arg14[%get3A_89, %get3A_90] {strides = array<i32>} : memref<128x128xf32, #tpu.memory_space<vmem>>, vector<16xf32>,
      %get3A_92 = arith.index_cast %scan3A_69 : i32 to index
      %get3A_93 = arith.constant 32 : index
      %get3A_94 = tpu.vector_load %arg15[%get3A_92, %get3A_93] {strides = array<i32>} : memref<128x128xf32, #tpu.memory_space<vmem>>, vector<16xf32>,
      %mul3A_95 = arith.mulf %get3A_91, %get3A_94 : vector<16xf32>
      %swap3A_96 = arith.index_cast %scan3A_69 : i32 to index
      %swap3A_97 = arith.constant 32 : index
      %swap3A_98 = tpu.vector_load %arg14[%swap3A_96, %swap3A_97] {strides = array<i32>} : memref<128x128xf32, #tpu.memory_space<vmem>>, vector<16xf32>,
      tpu.vector_store %arg14[%swap3A_96, %swap3A_97], %mul3A_95 {strides = array<i32>} : memref<128x128xf32, #tpu.memory_space<vmem>>, vector<16xf32>,
      %get3A_99 = arith.index_cast %scan3A_69 : i32 to index
      %get3A_100 = arith.constant 48 : index
      %get3A_101 = tpu.vector_load %arg14[%get3A_99, %get3A_100] {strides = array<i32>} : memref<128x128xf32, #tpu.memory_space<vmem>>, vector<16xf32>,
      %get3A_102 = arith.index_cast %scan3A_69 : i32 to index
      %get3A_103 = arith.constant 48 : index
      %get3A_104 = tpu.vector_load %arg15[%get3A_102, %get3A_103] {strides = array<i32>} : memref<128x128xf32, #tpu.memory_space<vmem>>, vector<16xf32>,
      %mul3A_105 = arith.mulf %get3A_101, %get3A_104 : vector<16xf32>
      %swap3A_106 = arith.index_cast %scan3A_69 : i32 to index
      %swap3A_107 = arith.constant 48 : index
      %swap3A_108 = tpu.vector_load %arg14[%swap3A_106, %swap3A_107] {strides = array<i32>} : memref<128x128xf32, #tpu.memory_space<vmem>>, vector<16xf32>,
      tpu.vector_store %arg14[%swap3A_106, %swap3A_107], %mul3A_105 {strides = array<i32>} : memref<128x128xf32, #tpu.memory_space<vmem>>, vector<16xf32>,
      %get3A_109 = arith.index_cast %scan3A_69 : i32 to index
      %get3A_110 = arith.constant 64 : index
      %get3A_111 = tpu.vector_load %arg14[%get3A_109, %get3A_110] {strides = array<i32>} : memref<128x128xf32, #tpu.memory_space<vmem>>, vector<16xf32>,
      %get3A_112 = arith.index_cast %scan3A_69 : i32 to index
      %get3A_113 = arith.constant 64 : index
      %get3A_114 = tpu.vector_load %arg15[%get3A_112, %get3A_113] {strides = array<i32>} : memref<128x128xf32, #tpu.memory_space<vmem>>, vector<16xf32>,
      %mul3A_115 = arith.mulf %get3A_111, %get3A_114 : vector<16xf32>
      %swap3A_116 = arith.index_cast %scan3A_69 : i32 to index
      %swap3A_117 = arith.constant 64 : index
      %swap3A_118 = tpu.vector_load %arg14[%swap3A_116, %swap3A_117] {strides = array<i32>} : memref<128x128xf32, #tpu.memory_space<vmem>>, vector<16xf32>,
      tpu.vector_store %arg14[%swap3A_116, %swap3A_117], %mul3A_115 {strides = array<i32>} : memref<128x128xf32, #tpu.memory_space<vmem>>, vector<16xf32>,
      %get3A_119 = arith.index_cast %scan3A_69 : i32 to index
      %get3A_120 = arith.constant 80 : index
      %get3A_121 = tpu.vector_load %arg14[%get3A_119, %get3A_120] {strides = array<i32>} : memref<128x128xf32, #tpu.memory_space<vmem>>, vector<16xf32>,
      %get3A_122 = arith.index_cast %scan3A_69 : i32 to index
      %get3A_123 = arith.constant 80 : index
      %get3A_124 = tpu.vector_load %arg15[%get3A_122, %get3A_123] {strides = array<i32>} : memref<128x128xf32, #tpu.memory_space<vmem>>, vector<16xf32>,
      %mul3A_125 = arith.mulf %get3A_121, %get3A_124 : vector<16xf32>
      %swap3A_126 = arith.index_cast %scan3A_69 : i32 to index
      %swap3A_127 = arith.constant 80 : index
      %swap3A_128 = tpu.vector_load %arg14[%swap3A_126, %swap3A_127] {strides = array<i32>} : memref<128x128xf32, #tpu.memory_space<vmem>>, vector<16xf32>,
      tpu.vector_store %arg14[%swap3A_126, %swap3A_127], %mul3A_125 {strides = array<i32>} : memref<128x128xf32, #tpu.memory_space<vmem>>, vector<16xf32>,
      %get3A_129 = arith.index_cast %scan3A_69 : i32 to index
      %get3A_130 = arith.constant 96 : index
      %get3A_131 = tpu.vector_load %arg14[%get3A_129, %get3A_130] {strides = array<i32>} : memref<128x128xf32, #tpu.memory_space<vmem>>, vector<16xf32>,
      %get3A_132 = arith.index_cast %scan3A_69 : i32 to index
      %get3A_133 = arith.constant 96 : index
      %get3A_134 = tpu.vector_load %arg15[%get3A_132, %get3A_133] {strides = array<i32>} : memref<128x128xf32, #tpu.memory_space<vmem>>, vector<16xf32>,
      %mul3A_135 = arith.mulf %get3A_131, %get3A_134 : vector<16xf32>
      %swap3A_136 = arith.index_cast %scan3A_69 : i32 to index
      %swap3A_137 = arith.constant 96 : index
      %swap3A_138 = tpu.vector_load %arg14[%swap3A_136, %swap3A_137] {strides = array<i32>} : memref<128x128xf32, #tpu.memory_space<vmem>>, vector<16xf32>,
      tpu.vector_store %arg14[%swap3A_136, %swap3A_137], %mul3A_135 {strides = array<i32>} : memref<128x128xf32, #tpu.memory_space<vmem>>, vector<16xf32>,
      %get3A_139 = arith.index_cast %scan3A_69 : i32 to index
      %get3A_140 = arith.constant 112 : index
      %get3A_141 = tpu.vector_load %arg14[%get3A_139, %get3A_140] {strides = array<i32>} : memref<128x128xf32, #tpu.memory_space<vmem>>, vector<16xf32>,
      %get3A_142 = arith.index_cast %scan3A_69 : i32 to index
      %get3A_143 = arith.constant 112 : index
      %get3A_144 = tpu.vector_load %arg15[%get3A_142, %get3A_143] {strides = array<i32>} : memref<128x128xf32, #tpu.memory_space<vmem>>, vector<16xf32>,
      %mul3A_145 = arith.mulf %get3A_141, %get3A_144 : vector<16xf32>
      %swap3A_146 = arith.index_cast %scan3A_69 : i32 to index
      %swap3A_147 = arith.constant 112 : index
      %swap3A_148 = tpu.vector_load %arg14[%swap3A_146, %swap3A_147] {strides = array<i32>} : memref<128x128xf32, #tpu.memory_space<vmem>>, vector<16xf32>,
      tpu.vector_store %arg14[%swap3A_146, %swap3A_147], %mul3A_145 {strides = array<i32>} : memref<128x128xf32, #tpu.memory_space<vmem>>, vector<16xf32>,
    }
    %scan3A_46 = arith.constant 16 : i32
    %get3A = arith.constant 0 : index
    %get3A_47 = tpu.vector_load %arg13[%get3A] {strides = array<i32>} : memref<16xi32, #tpu.memory_space<vmem>>, vector<16xi32>,
    tpu.vector_store_idx %arg16[%get3A_47], %broadcast_in_dim3A_23 {add = true} : memref<10000xf32, #tpu.memory_space<vmem>>[vector<16xi32>], vector<16xf32>,
    "tpu.region"() ({
      %run_scoped3A = tpu.sem_alloc : memref<!tpu.dma_semaphore, #tpu.memory_space<semaphore_mem>>
      %dma_start3A_69 = arith.constant 0 : i32
      %dma_start3A_70 = arith.constant 0 : i32
      %dma_start3A_71 = tpu.memref_slice %arg14[%dma_start3A_69, %dma_start3A_70] : memref<128x128xf32, #tpu.memory_space<vmem>> -> memref<16x128xf32, #tpu.memory_space<vmem>>
      %dma_start3A_72 = arith.constant 0 : i32
      %dma_start3A_73 = arith.constant 0 : i32
      %dma_start3A_74 = tpu.memref_slice %arg17[%dma_start3A_72, %dma_start3A_73] : memref<10000x128xf32, #tpu.memory_space<vmem_shared>> -> memref<10000x128xf32, #tpu.memory_space<vmem_shared>>
      tpu.enqueue_indirect_dma source(%dma_start3A_71 : memref<16x128xf32, #tpu.memory_space<vmem>>) target(%dma_start3A_74 : memref<10000x128xf32, #tpu.memory_space<vmem_shared>>) offsets(%arg13 : memref<16xi32, #tpu.memory_space<vmem>>) semaphore(%run_scoped3A : memref<!tpu.dma_semaphore, #tpu.memory_space<semaphore_mem>>) {add = true}
      %dma_wait3A_75 = arith.constant 0 : i32
      %dma_wait3A_76 = arith.constant 0 : i32
      %dma_wait3A_77 = tpu.memref_slice %arg14[%dma_wait3A_75, %dma_wait3A_76] : memref<128x128xf32, #tpu.memory_space<vmem>> -> memref<16x128xf32, #tpu.memory_space<vmem>>
      %dma_wait3A_78 = arith.constant 0 : i32
      %dma_wait3A_79 = arith.constant 0 : i32
      %dma_wait3A_80 = tpu.memref_slice %arg17[%dma_wait3A_78, %dma_wait3A_79] : memref<10000x128xf32, #tpu.memory_space<vmem_shared>> -> memref<10000x128xf32, #tpu.memory_space<vmem_shared>>
      tpu.wait_indirect_dma semaphore(%run_scoped3A : memref<!tpu.dma_semaphore, #tpu.memory_space<semaphore_mem>>) src(%dma_wait3A_77 : memref<16x128xf32, #tpu.memory_space<vmem>>) dst(%dma_wait3A_80 : memref<10000x128xf32, #tpu.memory_space<vmem_shared>>)
      tpu.yield
    }) : () -> ()
    %barrier3A_48 = arith.constant 0 : index
    tpu.barrier barrier_id(%barrier3A_48)
    "tpu.region"() ({
      %run_scoped3A = tpu.sem_alloc : memref<!tpu.dma_semaphore, #tpu.memory_space<semaphore_mem>>
      %dma_start3A_69 = arith.constant 0 : i32
      %dma_start3A_70 = tpu.memref_slice %arg9[%add3A_20, %dma_start3A_69] : memref<32x10000xf32, #tpu.memory_space<hbm>> -> memref<1x10000xf32, #tpu.memory_space<hbm>>
      %dma_start3A_71 = tpu.memref_squeeze %dma_start3A_70 : memref<1x10000xf32, #tpu.memory_space<hbm>> -> memref<10000xf32, #tpu.memory_space<hbm>>
      %dma_start3A_72 = arith.constant 0 : i32
      %dma_start3A_73 = tpu.memref_slice %arg9[%add3A_20, %dma_start3A_72] : memref<32x10000xf32, #tpu.memory_space<hbm>> -> memref<1x10000xf32, #tpu.memory_space<hbm>>
      %dma_start3A_74 = tpu.memref_squeeze %dma_start3A_73 : memref<1x10000xf32, #tpu.memory_space<hbm>> -> memref<10000xf32, #tpu.memory_space<hbm>>
      tpu.enqueue_dma source(%arg16 : memref<10000xf32, #tpu.memory_space<vmem>>) target(%dma_start3A_74 : memref<10000xf32, #tpu.memory_space<hbm>>) target_semaphore(%run_scoped3A : memref<!tpu.dma_semaphore, #tpu.memory_space<semaphore_mem>>)
      %dma_wait3A_75 = arith.constant 0 : i32
      %dma_wait3A_76 = tpu.memref_slice %arg9[%add3A_20, %dma_wait3A_75] : memref<32x10000xf32, #tpu.memory_space<hbm>> -> memref<1x10000xf32, #tpu.memory_space<hbm>>
      %dma_wait3A_77 = tpu.memref_squeeze %dma_wait3A_76 : memref<1x10000xf32, #tpu.memory_space<hbm>> -> memref<10000xf32, #tpu.memory_space<hbm>>
      %dma_wait3A_78 = arith.constant 0 : i32
      %dma_wait3A_79 = tpu.memref_slice %arg9[%add3A_20, %dma_wait3A_78] : memref<32x10000xf32, #tpu.memory_space<hbm>> -> memref<1x10000xf32, #tpu.memory_space<hbm>>
      %dma_wait3A_80 = tpu.memref_squeeze %dma_wait3A_79 : memref<1x10000xf32, #tpu.memory_space<hbm>> -> memref<10000xf32, #tpu.memory_space<hbm>>
      tpu.wait_dma2 semaphore(%run_scoped3A : memref<!tpu.dma_semaphore, #tpu.memory_space<semaphore_mem>>) src(%arg16 : memref<10000xf32, #tpu.memory_space<vmem>>) dst(%dma_wait3A_80 : memref<10000xf32, #tpu.memory_space<hbm>>)
      tpu.yield
    }) : () -> ()
    %mul3A_49 = arith.constant 625 : i32
    %mul3A_50 = arith.muli %arg1, %mul3A_49 : i32
    %add3A_51 = arith.constant 0 : i32
    %add3A_52 = arith.addi %mul3A_50, %add3A_51 : i32
    "tpu.region"() ({
      %run_scoped3A = tpu.sem_alloc : memref<!tpu.dma_semaphore, #tpu.memory_space<semaphore_mem>>
      %dma_start3A_69 = arith.constant 0 : i32
      %dma_start3A_70 = arith.constant 0 : i32
      %dma_start3A_71 = tpu.memref_slice %arg14[%dma_start3A_69, %dma_start3A_70] : memref<128x128xf32, #tpu.memory_space<vmem>> -> memref<125x128xf32, #tpu.memory_space<vmem>>
      %dma_start3A_72 = arith.constant 0 : i32
      %dma_start3A_73 = tpu.memref_slice %arg17[%add3A_52, %dma_start3A_72] : memref<10000x128xf32, #tpu.memory_space<vmem_shared>> -> memref<125x128xf32, #tpu.memory_space<vmem_shared>>
      %dma_start3A_74 = arith.constant 0 : i32
      %dma_start3A_75 = arith.constant 0 : i32
      %dma_start3A_76 = tpu.memref_slice %arg14[%dma_start3A_74, %dma_start3A_75] : memref<128x128xf32, #tpu.memory_space<vmem>> -> memref<125x128xf32, #tpu.memory_space<vmem>>
      %dma_start3A_77 = arith.constant 0 : i32
      %dma_start3A_78 = tpu.memref_slice %arg17[%add3A_52, %dma_start3A_77] : memref<10000x128xf32, #tpu.memory_space<vmem_shared>> -> memref<125x128xf32, #tpu.memory_space<vmem_shared>>
      tpu.enqueue_dma source(%dma_start3A_78 : memref<125x128xf32, #tpu.memory_space<vmem_shared>>) target(%dma_start3A_76 : memref<125x128xf32, #tpu.memory_space<vmem>>) target_semaphore(%run_scoped3A : memref<!tpu.dma_semaphore, #tpu.memory_space<semaphore_mem>>)
      %dma_wait3A_79 = arith.constant 0 : i32
      %dma_wait3A_80 = arith.constant 0 : i32
      %dma_wait3A_81 = tpu.memref_slice %arg14[%dma_wait3A_79, %dma_wait3A_80] : memref<128x128xf32, #tpu.memory_space<vmem>> -> memref<125x128xf32, #tpu.memory_space<vmem>>
      %dma_wait3A_82 = arith.constant 0 : i32
      %dma_wait3A_83 = tpu.memref_slice %arg17[%add3A_52, %dma_wait3A_82] : memref<10000x128xf32, #tpu.memory_space<vmem_shared>> -> memref<125x128xf32, #tpu.memory_space<vmem_shared>>
      %dma_wait3A_84 = arith.constant 0 : i32
      %dma_wait3A_85 = arith.constant 0 : i32
      %dma_wait3A_86 = tpu.memref_slice %arg14[%dma_wait3A_84, %dma_wait3A_85] : memref<128x128xf32, #tpu.memory_space<vmem>> -> memref<125x128xf32, #tpu.memory_space<vmem>>
      %dma_wait3A_87 = arith.constant 0 : i32
      %dma_wait3A_88 = tpu.memref_slice %arg17[%add3A_52, %dma_wait3A_87] : memref<10000x128xf32, #tpu.memory_space<vmem_shared>> -> memref<125x128xf32, #tpu.memory_space<vmem_shared>>
      tpu.wait_dma2 semaphore(%run_scoped3A : memref<!tpu.dma_semaphore, #tpu.memory_space<semaphore_mem>>) src(%dma_wait3A_88 : memref<125x128xf32, #tpu.memory_space<vmem_shared>>) dst(%dma_wait3A_86 : memref<125x128xf32, #tpu.memory_space<vmem>>)
      tpu.yield
    }) : () -> ()
    "tpu.region"() ({
      %run_scoped3A = tpu.sem_alloc : memref<!tpu.dma_semaphore, #tpu.memory_space<semaphore_mem>>
      %dma_start3A_69 = arith.constant 0 : i32
      %dma_start3A_70 = arith.constant 0 : i32
      %dma_start3A_71 = tpu.memref_slice %arg14[%dma_start3A_69, %dma_start3A_70] : memref<128x128xf32, #tpu.memory_space<vmem>> -> memref<125x128xf32, #tpu.memory_space<vmem>>
      %dma_start3A_72 = arith.constant 0 : i32
      %dma_start3A_73 = tpu.memref_slice %arg8[%arg0, %add3A_52, %dma_start3A_72] : memref<2x10000x128xf32, #tpu.memory_space<hbm>> -> memref<1x125x128xf32, #tpu.memory_space<hbm>>
      %dma_start3A_74 = tpu.memref_squeeze %dma_start3A_73 : memref<1x125x128xf32, #tpu.memory_space<hbm>> -> memref<125x128xf32, #tpu.memory_space<hbm>>
      %dma_start3A_75 = arith.constant 0 : i32
      %dma_start3A_76 = tpu.memref_slice %arg8[%arg0, %add3A_52, %dma_start3A_75] : memref<2x10000x128xf32, #tpu.memory_space<hbm>> -> memref<1x125x128xf32, #tpu.memory_space<hbm>>
      %dma_start3A_77 = tpu.memref_squeeze %dma_start3A_76 : memref<1x125x128xf32, #tpu.memory_space<hbm>> -> memref<125x128xf32, #tpu.memory_space<hbm>>
      %dma_start3A_78 = arith.constant 0 : i32
      %dma_start3A_79 = arith.constant 0 : i32
      %dma_start3A_80 = tpu.memref_slice %arg14[%dma_start3A_78, %dma_start3A_79] : memref<128x128xf32, #tpu.memory_space<vmem>> -> memref<125x128xf32, #tpu.memory_space<vmem>>
      tpu.enqueue_dma source(%dma_start3A_80 : memref<125x128xf32, #tpu.memory_space<vmem>>) target(%dma_start3A_77 : memref<125x128xf32, #tpu.memory_space<hbm>>) target_semaphore(%run_scoped3A : memref<!tpu.dma_semaphore, #tpu.memory_space<semaphore_mem>>)
      %dma_wait3A_81 = arith.constant 0 : i32
      %dma_wait3A_82 = arith.constant 0 : i32
      %dma_wait3A_83 = tpu.memref_slice %arg14[%dma_wait3A_81, %dma_wait3A_82] : memref<128x128xf32, #tpu.memory_space<vmem>> -> memref<125x128xf32, #tpu.memory_space<vmem>>
      %dma_wait3A_84 = arith.constant 0 : i32
      %dma_wait3A_85 = tpu.memref_slice %arg8[%arg0, %add3A_52, %dma_wait3A_84] : memref<2x10000x128xf32, #tpu.memory_space<hbm>> -> memref<1x125x128xf32, #tpu.memory_space<hbm>>
      %dma_wait3A_86 = tpu.memref_squeeze %dma_wait3A_85 : memref<1x125x128xf32, #tpu.memory_space<hbm>> -> memref<125x128xf32, #tpu.memory_space<hbm>>
      %dma_wait3A_87 = arith.constant 0 : i32
      %dma_wait3A_88 = tpu.memref_slice %arg8[%arg0, %add3A_52, %dma_wait3A_87] : memref<2x10000x128xf32, #tpu.memory_space<hbm>> -> memref<1x125x128xf32, #tpu.memory_space<hbm>>
      %dma_wait3A_89 = tpu.memref_squeeze %dma_wait3A_88 : memref<1x125x128xf32, #tpu.memory_space<hbm>> -> memref<125x128xf32, #tpu.memory_space<hbm>>
      %dma_wait3A_90 = arith.constant 0 : i32
      %dma_wait3A_91 = arith.constant 0 : i32
      %dma_wait3A_92 = tpu.memref_slice %arg14[%dma_wait3A_90, %dma_wait3A_91] : memref<128x128xf32, #tpu.memory_space<vmem>> -> memref<125x128xf32, #tpu.memory_space<vmem>>
      tpu.wait_dma2 semaphore(%run_scoped3A : memref<!tpu.dma_semaphore, #tpu.memory_space<semaphore_mem>>) src(%dma_wait3A_92 : memref<125x128xf32, #tpu.memory_space<vmem>>) dst(%dma_wait3A_89 : memref<125x128xf32, #tpu.memory_space<hbm>>)
      tpu.yield
    }) : () -> ()
    %mul3A_53 = arith.constant 625 : i32
    %mul3A_54 = arith.muli %arg1, %mul3A_53 : i32
    %add3A_55 = arith.constant 125 : i32
    %add3A_56 = arith.addi %mul3A_54, %add3A_55 : i32
    "tpu.region"() ({
      %run_scoped3A = tpu.sem_alloc : memref<!tpu.dma_semaphore, #tpu.memory_space<semaphore_mem>>
      %dma_start3A_69 = arith.constant 0 : i32
      %dma_start3A_70 = arith.constant 0 : i32
      %dma_start3A_71 = tpu.memref_slice %arg14[%dma_start3A_69, %dma_start3A_70] : memref<128x128xf32, #tpu.memory_space<vmem>> -> memref<125x128xf32, #tpu.memory_space<vmem>>
      %dma_start3A_72 = arith.constant 0 : i32
      %dma_start3A_73 = tpu.memref_slice %arg17[%add3A_56, %dma_start3A_72] : memref<10000x128xf32, #tpu.memory_space<vmem_shared>> -> memref<125x128xf32, #tpu.memory_space<vmem_shared>>
      %dma_start3A_74 = arith.constant 0 : i32
      %dma_start3A_75 = arith.constant 0 : i32
      %dma_start3A_76 = tpu.memref_slice %arg14[%dma_start3A_74, %dma_start3A_75] : memref<128x128xf32, #tpu.memory_space<vmem>> -> memref<125x128xf32, #tpu.memory_space<vmem>>
      %dma_start3A_77 = arith.constant 0 : i32
      %dma_start3A_78 = tpu.memref_slice %arg17[%add3A_56, %dma_start3A_77] : memref<10000x128xf32, #tpu.memory_space<vmem_shared>> -> memref<125x128xf32, #tpu.memory_space<vmem_shared>>
      tpu.enqueue_dma source(%dma_start3A_78 : memref<125x128xf32, #tpu.memory_space<vmem_shared>>) target(%dma_start3A_76 : memref<125x128xf32, #tpu.memory_space<vmem>>) target_semaphore(%run_scoped3A : memref<!tpu.dma_semaphore, #tpu.memory_space<semaphore_mem>>)
      %dma_wait3A_79 = arith.constant 0 : i32
      %dma_wait3A_80 = arith.constant 0 : i32
      %dma_wait3A_81 = tpu.memref_slice %arg14[%dma_wait3A_79, %dma_wait3A_80] : memref<128x128xf32, #tpu.memory_space<vmem>> -> memref<125x128xf32, #tpu.memory_space<vmem>>
      %dma_wait3A_82 = arith.constant 0 : i32
      %dma_wait3A_83 = tpu.memref_slice %arg17[%add3A_56, %dma_wait3A_82] : memref<10000x128xf32, #tpu.memory_space<vmem_shared>> -> memref<125x128xf32, #tpu.memory_space<vmem_shared>>
      %dma_wait3A_84 = arith.constant 0 : i32
      %dma_wait3A_85 = arith.constant 0 : i32
      %dma_wait3A_86 = tpu.memref_slice %arg14[%dma_wait3A_84, %dma_wait3A_85] : memref<128x128xf32, #tpu.memory_space<vmem>> -> memref<125x128xf32, #tpu.memory_space<vmem>>
      %dma_wait3A_87 = arith.constant 0 : i32
      %dma_wait3A_88 = tpu.memref_slice %arg17[%add3A_56, %dma_wait3A_87] : memref<10000x128xf32, #tpu.memory_space<vmem_shared>> -> memref<125x128xf32, #tpu.memory_space<vmem_shared>>
      tpu.wait_dma2 semaphore(%run_scoped3A : memref<!tpu.dma_semaphore, #tpu.memory_space<semaphore_mem>>) src(%dma_wait3A_88 : memref<125x128xf32, #tpu.memory_space<vmem_shared>>) dst(%dma_wait3A_86 : memref<125x128xf32, #tpu.memory_space<vmem>>)
      tpu.yield
    }) : () -> ()
    "tpu.region"() ({
      %run_scoped3A = tpu.sem_alloc : memref<!tpu.dma_semaphore, #tpu.memory_space<semaphore_mem>>
      %dma_start3A_69 = arith.constant 0 : i32
      %dma_start3A_70 = arith.constant 0 : i32
      %dma_start3A_71 = tpu.memref_slice %arg14[%dma_start3A_69, %dma_start3A_70] : memref<128x128xf32, #tpu.memory_space<vmem>> -> memref<125x128xf32, #tpu.memory_space<vmem>>
      %dma_start3A_72 = arith.constant 0 : i32
      %dma_start3A_73 = tpu.memref_slice %arg8[%arg0, %add3A_56, %dma_start3A_72] : memref<2x10000x128xf32, #tpu.memory_space<hbm>> -> memref<1x125x128xf32, #tpu.memory_space<hbm>>
      %dma_start3A_74 = tpu.memref_squeeze %dma_start3A_73 : memref<1x125x128xf32, #tpu.memory_space<hbm>> -> memref<125x128xf32, #tpu.memory_space<hbm>>
      %dma_start3A_75 = arith.constant 0 : i32
      %dma_start3A_76 = tpu.memref_slice %arg8[%arg0, %add3A_56, %dma_start3A_75] : memref<2x10000x128xf32, #tpu.memory_space<hbm>> -> memref<1x125x128xf32, #tpu.memory_space<hbm>>
      %dma_start3A_77 = tpu.memref_squeeze %dma_start3A_76 : memref<1x125x128xf32, #tpu.memory_space<hbm>> -> memref<125x128xf32, #tpu.memory_space<hbm>>
      %dma_start3A_78 = arith.constant 0 : i32
      %dma_start3A_79 = arith.constant 0 : i32
      %dma_start3A_80 = tpu.memref_slice %arg14[%dma_start3A_78, %dma_start3A_79] : memref<128x128xf32, #tpu.memory_space<vmem>> -> memref<125x128xf32, #tpu.memory_space<vmem>>
      tpu.enqueue_dma source(%dma_start3A_80 : memref<125x128xf32, #tpu.memory_space<vmem>>) target(%dma_start3A_77 : memref<125x128xf32, #tpu.memory_space<hbm>>) target_semaphore(%run_scoped3A : memref<!tpu.dma_semaphore, #tpu.memory_space<semaphore_mem>>)
      %dma_wait3A_81 = arith.constant 0 : i32
      %dma_wait3A_82 = arith.constant 0 : i32
      %dma_wait3A_83 = tpu.memref_slice %arg14[%dma_wait3A_81, %dma_wait3A_82] : memref<128x128xf32, #tpu.memory_space<vmem>> -> memref<125x128xf32, #tpu.memory_space<vmem>>
      %dma_wait3A_84 = arith.constant 0 : i32
      %dma_wait3A_85 = tpu.memref_slice %arg8[%arg0, %add3A_56, %dma_wait3A_84] : memref<2x10000x128xf32, #tpu.memory_space<hbm>> -> memref<1x125x128xf32, #tpu.memory_space<hbm>>
      %dma_wait3A_86 = tpu.memref_squeeze %dma_wait3A_85 : memref<1x125x128xf32, #tpu.memory_space<hbm>> -> memref<125x128xf32, #tpu.memory_space<hbm>>
      %dma_wait3A_87 = arith.constant 0 : i32
      %dma_wait3A_88 = tpu.memref_slice %arg8[%arg0, %add3A_56, %dma_wait3A_87] : memref<2x10000x128xf32, #tpu.memory_space<hbm>> -> memref<1x125x128xf32, #tpu.memory_space<hbm>>
      %dma_wait3A_89 = tpu.memref_squeeze %dma_wait3A_88 : memref<1x125x128xf32, #tpu.memory_space<hbm>> -> memref<125x128xf32, #tpu.memory_space<hbm>>
      %dma_wait3A_90 = arith.constant 0 : i32
      %dma_wait3A_91 = arith.constant 0 : i32
      %dma_wait3A_92 = tpu.memref_slice %arg14[%dma_wait3A_90, %dma_wait3A_91] : memref<128x128xf32, #tpu.memory_space<vmem>> -> memref<125x128xf32, #tpu.memory_space<vmem>>
      tpu.wait_dma2 semaphore(%run_scoped3A : memref<!tpu.dma_semaphore, #tpu.memory_space<semaphore_mem>>) src(%dma_wait3A_92 : memref<125x128xf32, #tpu.memory_space<vmem>>) dst(%dma_wait3A_89 : memref<125x128xf32, #tpu.memory_space<hbm>>)
      tpu.yield
    }) : () -> ()
    %mul3A_57 = arith.constant 625 : i32
    %mul3A_58 = arith.muli %arg1, %mul3A_57 : i32
    %add3A_59 = arith.constant 250 : i32
    %add3A_60 = arith.addi %mul3A_58, %add3A_59 : i32
    "tpu.region"() ({
      %run_scoped3A = tpu.sem_alloc : memref<!tpu.dma_semaphore, #tpu.memory_space<semaphore_mem>>
      %dma_start3A_69 = arith.constant 0 : i32
      %dma_start3A_70 = arith.constant 0 : i32
      %dma_start3A_71 = tpu.memref_slice %arg14[%dma_start3A_69, %dma_start3A_70] : memref<128x128xf32, #tpu.memory_space<vmem>> -> memref<125x128xf32, #tpu.memory_space<vmem>>
      %dma_start3A_72 = arith.constant 0 : i32
      %dma_start3A_73 = tpu.memref_slice %arg17[%add3A_60, %dma_start3A_72] : memref<10000x128xf32, #tpu.memory_space<vmem_shared>> -> memref<125x128xf32, #tpu.memory_space<vmem_shared>>
      %dma_start3A_74 = arith.constant 0 : i32
      %dma_start3A_75 = arith.constant 0 : i32
      %dma_start3A_76 = tpu.memref_slice %arg14[%dma_start3A_74, %dma_start3A_75] : memref<128x128xf32, #tpu.memory_space<vmem>> -> memref<125x128xf32, #tpu.memory_space<vmem>>
      %dma_start3A_77 = arith.constant 0 : i32
      %dma_start3A_78 = tpu.memref_slice %arg17[%add3A_60, %dma_start3A_77] : memref<10000x128xf32, #tpu.memory_space<vmem_shared>> -> memref<125x128xf32, #tpu.memory_space<vmem_shared>>
      tpu.enqueue_dma source(%dma_start3A_78 : memref<125x128xf32, #tpu.memory_space<vmem_shared>>) target(%dma_start3A_76 : memref<125x128xf32, #tpu.memory_space<vmem>>) target_semaphore(%run_scoped3A : memref<!tpu.dma_semaphore, #tpu.memory_space<semaphore_mem>>)
      %dma_wait3A_79 = arith.constant 0 : i32
      %dma_wait3A_80 = arith.constant 0 : i32
      %dma_wait3A_81 = tpu.memref_slice %arg14[%dma_wait3A_79, %dma_wait3A_80] : memref<128x128xf32, #tpu.memory_space<vmem>> -> memref<125x128xf32, #tpu.memory_space<vmem>>
      %dma_wait3A_82 = arith.constant 0 : i32
      %dma_wait3A_83 = tpu.memref_slice %arg17[%add3A_60, %dma_wait3A_82] : memref<10000x128xf32, #tpu.memory_space<vmem_shared>> -> memref<125x128xf32, #tpu.memory_space<vmem_shared>>
      %dma_wait3A_84 = arith.constant 0 : i32
      %dma_wait3A_85 = arith.constant 0 : i32
      %dma_wait3A_86 = tpu.memref_slice %arg14[%dma_wait3A_84, %dma_wait3A_85] : memref<128x128xf32, #tpu.memory_space<vmem>> -> memref<125x128xf32, #tpu.memory_space<vmem>>
      %dma_wait3A_87 = arith.constant 0 : i32
      %dma_wait3A_88 = tpu.memref_slice %arg17[%add3A_60, %dma_wait3A_87] : memref<10000x128xf32, #tpu.memory_space<vmem_shared>> -> memref<125x128xf32, #tpu.memory_space<vmem_shared>>
      tpu.wait_dma2 semaphore(%run_scoped3A : memref<!tpu.dma_semaphore, #tpu.memory_space<semaphore_mem>>) src(%dma_wait3A_88 : memref<125x128xf32, #tpu.memory_space<vmem_shared>>) dst(%dma_wait3A_86 : memref<125x128xf32, #tpu.memory_space<vmem>>)
      tpu.yield
    }) : () -> ()
    "tpu.region"() ({
      %run_scoped3A = tpu.sem_alloc : memref<!tpu.dma_semaphore, #tpu.memory_space<semaphore_mem>>
      %dma_start3A_69 = arith.constant 0 : i32
      %dma_start3A_70 = arith.constant 0 : i32
      %dma_start3A_71 = tpu.memref_slice %arg14[%dma_start3A_69, %dma_start3A_70] : memref<128x128xf32, #tpu.memory_space<vmem>> -> memref<125x128xf32, #tpu.memory_space<vmem>>
      %dma_start3A_72 = arith.constant 0 : i32
      %dma_start3A_73 = tpu.memref_slice %arg8[%arg0, %add3A_60, %dma_start3A_72] : memref<2x10000x128xf32, #tpu.memory_space<hbm>> -> memref<1x125x128xf32, #tpu.memory_space<hbm>>
      %dma_start3A_74 = tpu.memref_squeeze %dma_start3A_73 : memref<1x125x128xf32, #tpu.memory_space<hbm>> -> memref<125x128xf32, #tpu.memory_space<hbm>>
      %dma_start3A_75 = arith.constant 0 : i32
      %dma_start3A_76 = tpu.memref_slice %arg8[%arg0, %add3A_60, %dma_start3A_75] : memref<2x10000x128xf32, #tpu.memory_space<hbm>> -> memref<1x125x128xf32, #tpu.memory_space<hbm>>
      %dma_start3A_77 = tpu.memref_squeeze %dma_start3A_76 : memref<1x125x128xf32, #tpu.memory_space<hbm>> -> memref<125x128xf32, #tpu.memory_space<hbm>>
      %dma_start3A_78 = arith.constant 0 : i32
      %dma_start3A_79 = arith.constant 0 : i32
      %dma_start3A_80 = tpu.memref_slice %arg14[%dma_start3A_78, %dma_start3A_79] : memref<128x128xf32, #tpu.memory_space<vmem>> -> memref<125x128xf32, #tpu.memory_space<vmem>>
      tpu.enqueue_dma source(%dma_start3A_80 : memref<125x128xf32, #tpu.memory_space<vmem>>) target(%dma_start3A_77 : memref<125x128xf32, #tpu.memory_space<hbm>>) target_semaphore(%run_scoped3A : memref<!tpu.dma_semaphore, #tpu.memory_space<semaphore_mem>>)
      %dma_wait3A_81 = arith.constant 0 : i32
      %dma_wait3A_82 = arith.constant 0 : i32
      %dma_wait3A_83 = tpu.memref_slice %arg14[%dma_wait3A_81, %dma_wait3A_82] : memref<128x128xf32, #tpu.memory_space<vmem>> -> memref<125x128xf32, #tpu.memory_space<vmem>>
      %dma_wait3A_84 = arith.constant 0 : i32
      %dma_wait3A_85 = tpu.memref_slice %arg8[%arg0, %add3A_60, %dma_wait3A_84] : memref<2x10000x128xf32, #tpu.memory_space<hbm>> -> memref<1x125x128xf32, #tpu.memory_space<hbm>>
      %dma_wait3A_86 = tpu.memref_squeeze %dma_wait3A_85 : memref<1x125x128xf32, #tpu.memory_space<hbm>> -> memref<125x128xf32, #tpu.memory_space<hbm>>
      %dma_wait3A_87 = arith.constant 0 : i32
      %dma_wait3A_88 = tpu.memref_slice %arg8[%arg0, %add3A_60, %dma_wait3A_87] : memref<2x10000x128xf32, #tpu.memory_space<hbm>> -> memref<1x125x128xf32, #tpu.memory_space<hbm>>
      %dma_wait3A_89 = tpu.memref_squeeze %dma_wait3A_88 : memref<1x125x128xf32, #tpu.memory_space<hbm>> -> memref<125x128xf32, #tpu.memory_space<hbm>>
      %dma_wait3A_90 = arith.constant 0 : i32
      %dma_wait3A_91 = arith.constant 0 : i32
      %dma_wait3A_92 = tpu.memref_slice %arg14[%dma_wait3A_90, %dma_wait3A_91] : memref<128x128xf32, #tpu.memory_space<vmem>> -> memref<125x128xf32, #tpu.memory_space<vmem>>
      tpu.wait_dma2 semaphore(%run_scoped3A : memref<!tpu.dma_semaphore, #tpu.memory_space<semaphore_mem>>) src(%dma_wait3A_92 : memref<125x128xf32, #tpu.memory_space<vmem>>) dst(%dma_wait3A_89 : memref<125x128xf32, #tpu.memory_space<hbm>>)
      tpu.yield
    }) : () -> ()
    %mul3A_61 = arith.constant 625 : i32
    %mul3A_62 = arith.muli %arg1, %mul3A_61 : i32
    %add3A_63 = arith.constant 375 : i32
    %add3A_64 = arith.addi %mul3A_62, %add3A_63 : i32
    "tpu.region"() ({
      %run_scoped3A = tpu.sem_alloc : memref<!tpu.dma_semaphore, #tpu.memory_space<semaphore_mem>>
      %dma_start3A_69 = arith.constant 0 : i32
      %dma_start3A_70 = arith.constant 0 : i32
      %dma_start3A_71 = tpu.memref_slice %arg14[%dma_start3A_69, %dma_start3A_70] : memref<128x128xf32, #tpu.memory_space<vmem>> -> memref<125x128xf32, #tpu.memory_space<vmem>>
      %dma_start3A_72 = arith.constant 0 : i32
      %dma_start3A_73 = tpu.memref_slice %arg17[%add3A_64, %dma_start3A_72] : memref<10000x128xf32, #tpu.memory_space<vmem_shared>> -> memref<125x128xf32, #tpu.memory_space<vmem_shared>>
      %dma_start3A_74 = arith.constant 0 : i32
      %dma_start3A_75 = arith.constant 0 : i32
      %dma_start3A_76 = tpu.memref_slice %arg14[%dma_start3A_74, %dma_start3A_75] : memref<128x128xf32, #tpu.memory_space<vmem>> -> memref<125x128xf32, #tpu.memory_space<vmem>>
      %dma_start3A_77 = arith.constant 0 : i32
      %dma_start3A_78 = tpu.memref_slice %arg17[%add3A_64, %dma_start3A_77] : memref<10000x128xf32, #tpu.memory_space<vmem_shared>> -> memref<125x128xf32, #tpu.memory_space<vmem_shared>>
      tpu.enqueue_dma source(%dma_start3A_78 : memref<125x128xf32, #tpu.memory_space<vmem_shared>>) target(%dma_start3A_76 : memref<125x128xf32, #tpu.memory_space<vmem>>) target_semaphore(%run_scoped3A : memref<!tpu.dma_semaphore, #tpu.memory_space<semaphore_mem>>)
      %dma_wait3A_79 = arith.constant 0 : i32
      %dma_wait3A_80 = arith.constant 0 : i32
      %dma_wait3A_81 = tpu.memref_slice %arg14[%dma_wait3A_79, %dma_wait3A_80] : memref<128x128xf32, #tpu.memory_space<vmem>> -> memref<125x128xf32, #tpu.memory_space<vmem>>
      %dma_wait3A_82 = arith.constant 0 : i32
      %dma_wait3A_83 = tpu.memref_slice %arg17[%add3A_64, %dma_wait3A_82] : memref<10000x128xf32, #tpu.memory_space<vmem_shared>> -> memref<125x128xf32, #tpu.memory_space<vmem_shared>>
      %dma_wait3A_84 = arith.constant 0 : i32
      %dma_wait3A_85 = arith.constant 0 : i32
      %dma_wait3A_86 = tpu.memref_slice %arg14[%dma_wait3A_84, %dma_wait3A_85] : memref<128x128xf32, #tpu.memory_space<vmem>> -> memref<125x128xf32, #tpu.memory_space<vmem>>
      %dma_wait3A_87 = arith.constant 0 : i32
      %dma_wait3A_88 = tpu.memref_slice %arg17[%add3A_64, %dma_wait3A_87] : memref<10000x128xf32, #tpu.memory_space<vmem_shared>> -> memref<125x128xf32, #tpu.memory_space<vmem_shared>>
      tpu.wait_dma2 semaphore(%run_scoped3A : memref<!tpu.dma_semaphore, #tpu.memory_space<semaphore_mem>>) src(%dma_wait3A_88 : memref<125x128xf32, #tpu.memory_space<vmem_shared>>) dst(%dma_wait3A_86 : memref<125x128xf32, #tpu.memory_space<vmem>>)
      tpu.yield
    }) : () -> ()
    "tpu.region"() ({
      %run_scoped3A = tpu.sem_alloc : memref<!tpu.dma_semaphore, #tpu.memory_space<semaphore_mem>>
      %dma_start3A_69 = arith.constant 0 : i32
      %dma_start3A_70 = arith.constant 0 : i32
      %dma_start3A_71 = tpu.memref_slice %arg14[%dma_start3A_69, %dma_start3A_70] : memref<128x128xf32, #tpu.memory_space<vmem>> -> memref<125x128xf32, #tpu.memory_space<vmem>>
      %dma_start3A_72 = arith.constant 0 : i32
      %dma_start3A_73 = tpu.memref_slice %arg8[%arg0, %add3A_64, %dma_start3A_72] : memref<2x10000x128xf32, #tpu.memory_space<hbm>> -> memref<1x125x128xf32, #tpu.memory_space<hbm>>
      %dma_start3A_74 = tpu.memref_squeeze %dma_start3A_73 : memref<1x125x128xf32, #tpu.memory_space<hbm>> -> memref<125x128xf32, #tpu.memory_space<hbm>>
      %dma_start3A_75 = arith.constant 0 : i32
      %dma_start3A_76 = tpu.memref_slice %arg8[%arg0, %add3A_64, %dma_start3A_75] : memref<2x10000x128xf32, #tpu.memory_space<hbm>> -> memref<1x125x128xf32, #tpu.memory_space<hbm>>
      %dma_start3A_77 = tpu.memref_squeeze %dma_start3A_76 : memref<1x125x128xf32, #tpu.memory_space<hbm>> -> memref<125x128xf32, #tpu.memory_space<hbm>>
      %dma_start3A_78 = arith.constant 0 : i32
      %dma_start3A_79 = arith.constant 0 : i32
      %dma_start3A_80 = tpu.memref_slice %arg14[%dma_start3A_78, %dma_start3A_79] : memref<128x128xf32, #tpu.memory_space<vmem>> -> memref<125x128xf32, #tpu.memory_space<vmem>>
      tpu.enqueue_dma source(%dma_start3A_80 : memref<125x128xf32, #tpu.memory_space<vmem>>) target(%dma_start3A_77 : memref<125x128xf32, #tpu.memory_space<hbm>>) target_semaphore(%run_scoped3A : memref<!tpu.dma_semaphore, #tpu.memory_space<semaphore_mem>>)
      %dma_wait3A_81 = arith.constant 0 : i32
      %dma_wait3A_82 = arith.constant 0 : i32
      %dma_wait3A_83 = tpu.memref_slice %arg14[%dma_wait3A_81, %dma_wait3A_82] : memref<128x128xf32, #tpu.memory_space<vmem>> -> memref<125x128xf32, #tpu.memory_space<vmem>>
      %dma_wait3A_84 = arith.constant 0 : i32
      %dma_wait3A_85 = tpu.memref_slice %arg8[%arg0, %add3A_64, %dma_wait3A_84] : memref<2x10000x128xf32, #tpu.memory_space<hbm>> -> memref<1x125x128xf32, #tpu.memory_space<hbm>>
      %dma_wait3A_86 = tpu.memref_squeeze %dma_wait3A_85 : memref<1x125x128xf32, #tpu.memory_space<hbm>> -> memref<125x128xf32, #tpu.memory_space<hbm>>
      %dma_wait3A_87 = arith.constant 0 : i32
      %dma_wait3A_88 = tpu.memref_slice %arg8[%arg0, %add3A_64, %dma_wait3A_87] : memref<2x10000x128xf32, #tpu.memory_space<hbm>> -> memref<1x125x128xf32, #tpu.memory_space<hbm>>
      %dma_wait3A_89 = tpu.memref_squeeze %dma_wait3A_88 : memref<1x125x128xf32, #tpu.memory_space<hbm>> -> memref<125x128xf32, #tpu.memory_space<hbm>>
      %dma_wait3A_90 = arith.constant 0 : i32
      %dma_wait3A_91 = arith.constant 0 : i32
      %dma_wait3A_92 = tpu.memref_slice %arg14[%dma_wait3A_90, %dma_wait3A_91] : memref<128x128xf32, #tpu.memory_space<vmem>> -> memref<125x128xf32, #tpu.memory_space<vmem>>
      tpu.wait_dma2 semaphore(%run_scoped3A : memref<!tpu.dma_semaphore, #tpu.memory_space<semaphore_mem>>) src(%dma_wait3A_92 : memref<125x128xf32, #tpu.memory_space<vmem>>) dst(%dma_wait3A_89 : memref<125x128xf32, #tpu.memory_space<hbm>>)
      tpu.yield
    }) : () -> ()
    %mul3A_65 = arith.constant 625 : i32
    %mul3A_66 = arith.muli %arg1, %mul3A_65 : i32
    %add3A_67 = arith.constant 500 : i32
    %add3A_68 = arith.addi %mul3A_66, %add3A_67 : i32
    "tpu.region"() ({
      %run_scoped3A = tpu.sem_alloc : memref<!tpu.dma_semaphore, #tpu.memory_space<semaphore_mem>>
      %dma_start3A_69 = arith.constant 0 : i32
      %dma_start3A_70 = arith.constant 0 : i32
      %dma_start3A_71 = tpu.memref_slice %arg14[%dma_start3A_69, %dma_start3A_70] : memref<128x128xf32, #tpu.memory_space<vmem>> -> memref<125x128xf32, #tpu.memory_space<vmem>>
      %dma_start3A_72 = arith.constant 0 : i32
      %dma_start3A_73 = tpu.memref_slice %arg17[%add3A_68, %dma_start3A_72] : memref<10000x128xf32, #tpu.memory_space<vmem_shared>> -> memref<125x128xf32, #tpu.memory_space<vmem_shared>>
      %dma_start3A_74 = arith.constant 0 : i32
      %dma_start3A_75 = arith.constant 0 : i32
      %dma_start3A_76 = tpu.memref_slice %arg14[%dma_start3A_74, %dma_start3A_75] : memref<128x128xf32, #tpu.memory_space<vmem>> -> memref<125x128xf32, #tpu.memory_space<vmem>>
      %dma_start3A_77 = arith.constant 0 : i32
      %dma_start3A_78 = tpu.memref_slice %arg17[%add3A_68, %dma_start3A_77] : memref<10000x128xf32, #tpu.memory_space<vmem_shared>> -> memref<125x128xf32, #tpu.memory_space<vmem_shared>>
      tpu.enqueue_dma source(%dma_start3A_78 : memref<125x128xf32, #tpu.memory_space<vmem_shared>>) target(%dma_start3A_76 : memref<125x128xf32, #tpu.memory_space<vmem>>) target_semaphore(%run_scoped3A : memref<!tpu.dma_semaphore, #tpu.memory_space<semaphore_mem>>)
      %dma_wait3A_79 = arith.constant 0 : i32
      %dma_wait3A_80 = arith.constant 0 : i32
      %dma_wait3A_81 = tpu.memref_slice %arg14[%dma_wait3A_79, %dma_wait3A_80] : memref<128x128xf32, #tpu.memory_space<vmem>> -> memref<125x128xf32, #tpu.memory_space<vmem>>
      %dma_wait3A_82 = arith.constant 0 : i32
      %dma_wait3A_83 = tpu.memref_slice %arg17[%add3A_68, %dma_wait3A_82] : memref<10000x128xf32, #tpu.memory_space<vmem_shared>> -> memref<125x128xf32, #tpu.memory_space<vmem_shared>>
      %dma_wait3A_84 = arith.constant 0 : i32
      %dma_wait3A_85 = arith.constant 0 : i32
      %dma_wait3A_86 = tpu.memref_slice %arg14[%dma_wait3A_84, %dma_wait3A_85] : memref<128x128xf32, #tpu.memory_space<vmem>> -> memref<125x128xf32, #tpu.memory_space<vmem>>
      %dma_wait3A_87 = arith.constant 0 : i32
      %dma_wait3A_88 = tpu.memref_slice %arg17[%add3A_68, %dma_wait3A_87] : memref<10000x128xf32, #tpu.memory_space<vmem_shared>> -> memref<125x128xf32, #tpu.memory_space<vmem_shared>>
      tpu.wait_dma2 semaphore(%run_scoped3A : memref<!tpu.dma_semaphore, #tpu.memory_space<semaphore_mem>>) src(%dma_wait3A_88 : memref<125x128xf32, #tpu.memory_space<vmem_shared>>) dst(%dma_wait3A_86 : memref<125x128xf32, #tpu.memory_space<vmem>>)
      tpu.yield
    }) : () -> ()
    "tpu.region"() ({
      %run_scoped3A = tpu.sem_alloc : memref<!tpu.dma_semaphore, #tpu.memory_space<semaphore_mem>>
      %dma_start3A_69 = arith.constant 0 : i32
      %dma_start3A_70 = arith.constant 0 : i32
      %dma_start3A_71 = tpu.memref_slice %arg14[%dma_start3A_69, %dma_start3A_70] : memref<128x128xf32, #tpu.memory_space<vmem>> -> memref<125x128xf32, #tpu.memory_space<vmem>>
      %dma_start3A_72 = arith.constant 0 : i32
      %dma_start3A_73 = tpu.memref_slice %arg8[%arg0, %add3A_68, %dma_start3A_72] : memref<2x10000x128xf32, #tpu.memory_space<hbm>> -> memref<1x125x128xf32, #tpu.memory_space<hbm>>
      %dma_start3A_74 = tpu.memref_squeeze %dma_start3A_73 : memref<1x125x128xf32, #tpu.memory_space<hbm>> -> memref<125x128xf32, #tpu.memory_space<hbm>>
      %dma_start3A_75 = arith.constant 0 : i32
      %dma_start3A_76 = tpu.memref_slice %arg8[%arg0, %add3A_68, %dma_start3A_75] : memref<2x10000x128xf32, #tpu.memory_space<hbm>> -> memref<1x125x128xf32, #tpu.memory_space<hbm>>
      %dma_start3A_77 = tpu.memref_squeeze %dma_start3A_76 : memref<1x125x128xf32, #tpu.memory_space<hbm>> -> memref<125x128xf32, #tpu.memory_space<hbm>>
      %dma_start3A_78 = arith.constant 0 : i32
      %dma_start3A_79 = arith.constant 0 : i32
      %dma_start3A_80 = tpu.memref_slice %arg14[%dma_start3A_78, %dma_start3A_79] : memref<128x128xf32, #tpu.memory_space<vmem>> -> memref<125x128xf32, #tpu.memory_space<vmem>>
      tpu.enqueue_dma source(%dma_start3A_80 : memref<125x128xf32, #tpu.memory_space<vmem>>) target(%dma_start3A_77 : memref<125x128xf32, #tpu.memory_space<hbm>>) target_semaphore(%run_scoped3A : memref<!tpu.dma_semaphore, #tpu.memory_space<semaphore_mem>>)
      %dma_wait3A_81 = arith.constant 0 : i32
      %dma_wait3A_82 = arith.constant 0 : i32
      %dma_wait3A_83 = tpu.memref_slice %arg14[%dma_wait3A_81, %dma_wait3A_82] : memref<128x128xf32, #tpu.memory_space<vmem>> -> memref<125x128xf32, #tpu.memory_space<vmem>>
      %dma_wait3A_84 = arith.constant 0 : i32
      %dma_wait3A_85 = tpu.memref_slice %arg8[%arg0, %add3A_68, %dma_wait3A_84] : memref<2x10000x128xf32, #tpu.memory_space<hbm>> -> memref<1x125x128xf32, #tpu.memory_space<hbm>>
      %dma_wait3A_86 = tpu.memref_squeeze %dma_wait3A_85 : memref<1x125x128xf32, #tpu.memory_space<hbm>> -> memref<125x128xf32, #tpu.memory_space<hbm>>
      %dma_wait3A_87 = arith.constant 0 : i32
      %dma_wait3A_88 = tpu.memref_slice %arg8[%arg0, %add3A_68, %dma_wait3A_87] : memref<2x10000x128xf32, #tpu.memory_space<hbm>> -> memref<1x125x128xf32, #tpu.memory_space<hbm>>
      %dma_wait3A_89 = tpu.memref_squeeze %dma_wait3A_88 : memref<1x125x128xf32, #tpu.memory_space<hbm>> -> memref<125x128xf32, #tpu.memory_space<hbm>>
      %dma_wait3A_90 = arith.constant 0 : i32
      %dma_wait3A_91 = arith.constant 0 : i32
      %dma_wait3A_92 = tpu.memref_slice %arg14[%dma_wait3A_90, %dma_wait3A_91] : memref<128x128xf32, #tpu.memory_space<vmem>> -> memref<125x128xf32, #tpu.memory_space<vmem>>
      tpu.wait_dma2 semaphore(%run_scoped3A : memref<!tpu.dma_semaphore, #tpu.memory_space<semaphore_mem>>) src(%dma_wait3A_92 : memref<125x128xf32, #tpu.memory_space<vmem>>) dst(%dma_wait3A_89 : memref<125x128xf32, #tpu.memory_space<hbm>>)
      tpu.yield
    }) : () -> ()
    return
  }
}

module attributes {stable_mosaic.version = 14 : i64} {
  func.func @_gate_body(%arg0: i32, %arg1: memref<2000x16xf32, #tpu.memory_space<vmem>>, %arg2: memref<16x128xf32, #tpu.memory_space<vmem>>, %arg3: memref<2000x128xf32, #tpu.memory_space<vmem>>) attributes {dimension_semantics = [#tpu.dimension_semantics<arbitrary>], iteration_bounds = array<i64: 160>, scalar_prefetch = 0 : i64, scratch_operands = 0 : i64, tpu.core_type = #tpu.core_type<tc>, window_params = [{transform_indices = @transform_0, window_bounds = array<i64: 2000, 16>}, {pipeline_mode = #tpu.pipeline_mode<synchronous>, transform_indices = @transform_1, window_bounds = array<i64: 16, 128>}, {transform_indices = @transform_2, window_bounds = array<i64: 2000, 128>}]} {
    %get3A = arith.constant 0 : index
    %get3A_0 = arith.constant 0 : index
    %get3A_1 = vector.load %arg1[%get3A, %get3A_0] : memref<2000x16xf32, #tpu.memory_space<vmem>>, vector<2000x16xf32>
    %get3A_2 = arith.constant 0 : index
    %get3A_3 = arith.constant 0 : index
    %get3A_4 = vector.load %arg2[%get3A_2, %get3A_3] : memref<16x128xf32, #tpu.memory_space<vmem>>, vector<16x128xf32>
    %dot_general3A = arith.constant dense<0.000000e+00> : vector<2000x128xf32>
    %dot_general3A_5 = tpu.matmul %get3A_1, %get3A_4, %dot_general3A {dimension_numbers = #tpu.dot_dimension_numbers<[1], [0], [0], [1], [0, 0, 1, 1], [], []>, transpose_lhs_hint = false} : vector<2000x16xf32>, vector<16x128xf32>, vector<2000x128xf32> -> vector<2000x128xf32>
    %neg3A = arith.constant 0.000000e+00 : f32
    %neg3A_6 = vector.broadcast %neg3A : f32 to vector<2000x128xf32>
    %neg3A_7 = arith.subf %neg3A_6, %dot_general3A_5 : vector<2000x128xf32>
    %exp3A = math.exp %neg3A_7 : vector<2000x128xf32>
    %add3A = arith.constant 1.000000e+00 : f32
    %add3A_8 = vector.broadcast %add3A : f32 to vector<2000x128xf32>
    %add3A_9 = arith.addf %add3A_8, %exp3A : vector<2000x128xf32>
    %div3A = arith.constant 1.000000e+00 : f32
    %div3A_10 = vector.broadcast %div3A : f32 to vector<2000x128xf32>
    %div3A_11 = arith.divf %div3A_10, %add3A_9 : vector<2000x128xf32>
    %swap3A = arith.constant 0 : index
    %swap3A_12 = arith.constant 0 : index
    %swap3A_13 = vector.load %arg3[%swap3A, %swap3A_12] : memref<2000x128xf32, #tpu.memory_space<vmem>>, vector<2000x128xf32>
    tpu.vector_store %arg3[%swap3A, %swap3A_12], %div3A_11 {strides = array<i32>} : memref<2000x128xf32, #tpu.memory_space<vmem>>, vector<2000x128xf32>,
    return
  }
  func.func @transform_0(%arg0: i32) -> (i32, i32) {
    %c0_i32 = arith.constant 0 : i32
    %c0_i32_0 = arith.constant 0 : i32
    return %arg0, %c0_i32 : i32, i32
  }
  func.func @transform_1(%arg0: i32) -> (i32, i32) {
    %c0_i32 = arith.constant 0 : i32
    %c0_i32_0 = arith.constant 0 : i32
    %c0_i32_1 = arith.constant 0 : i32
    return %c0_i32, %c0_i32_0 : i32, i32
  }
  func.func @transform_2(%arg0: i32) -> (i32, i32) {
    %c0_i32 = arith.constant 0 : i32
    %c0_i32_0 = arith.constant 0 : i32
    return %arg0, %c0_i32 : i32, i32
  }
}

module attributes {stable_mosaic.version = 14 : i64} {
  func.func @body(%arg0: i32, %arg1: memref<1000x128xf32, #tpu.memory_space<vmem>>, %arg2: memref<1000x128xf32, #tpu.memory_space<vmem>>, %arg3: memref<1000x128xf32, #tpu.memory_space<vmem>>, %arg4: memref<1000x32xf32, #tpu.memory_space<vmem>>, %arg5: memref<1x1x1000xi32, #tpu.memory_space<vmem>>, %arg6: memref<128x128xf32, #tpu.memory_space<vmem>>, %arg7: memref<128x1xf32, #tpu.memory_space<vmem>>, %arg8: memref<1x1xf32, #tpu.memory_space<smem>>, %arg9: memref<64x1xf32, #tpu.memory_space<vmem>>, %arg10: memref<64x128xf32, #tpu.memory_space<vmem>>, %arg11: memref<64x128xf32, #tpu.memory_space<vmem>>) attributes {dimension_semantics = [#tpu.dimension_semantics<arbitrary>], iteration_bounds = array<i64: 10>, scalar_prefetch = 0 : i64, scratch_operands = 2 : i64, tpu.core_type = #tpu.core_type<tc>, window_params = [{transform_indices = @transform_0, window_bounds = array<i64: 1000, 128>}, {transform_indices = @transform_1, window_bounds = array<i64: 1000, 128>}, {transform_indices = @transform_2, window_bounds = array<i64: 1000, 128>}, {transform_indices = @transform_3, window_bounds = array<i64: 1000, 32>}, {transform_indices = @transform_4, window_bounds = array<i64: 1, 1, 1000>}, {pipeline_mode = #tpu.pipeline_mode<synchronous>, transform_indices = @transform_5, window_bounds = array<i64: 128, 128>}, {pipeline_mode = #tpu.pipeline_mode<synchronous>, transform_indices = @transform_6, window_bounds = array<i64: 128, 1>}, {transform_indices = @transform_7, window_bounds = array<i64: 1, 1>}, {pipeline_mode = #tpu.pipeline_mode<synchronous>, transform_indices = @transform_8, window_bounds = array<i64: 64, 1>}]} {
    %eq3A = arith.constant 0 : i32
    %eq3A_0 = arith.cmpi eq, %arg0, %eq3A : i32
    %convert_element_type3A = arith.extui %eq3A_0 : i1 to i32
    %cond3A = arith.constant 0 : i32
    %cond3A_1 = arith.cmpi ne, %convert_element_type3A, %cond3A : i32
    scf.if %cond3A_1 {
      %broadcast_in_dim3A_77 = arith.constant 0.000000e+00 : f32
      %broadcast_in_dim3A_78 = vector.broadcast %broadcast_in_dim3A_77 : f32 to vector<64x128xf32>
      %swap3A_79 = arith.constant 0 : index
      %swap3A_80 = arith.constant 0 : index
      %swap3A_81 = vector.load %arg10[%swap3A_79, %swap3A_80] : memref<64x128xf32, #tpu.memory_space<vmem>>, vector<64x128xf32>
      tpu.vector_store %arg10[%swap3A_79, %swap3A_80], %broadcast_in_dim3A_78 {strides = array<i32>} : memref<64x128xf32, #tpu.memory_space<vmem>>, vector<64x128xf32>,
      %broadcast_in_dim3A_82 = arith.constant 0.000000e+00 : f32
      %broadcast_in_dim3A_83 = vector.broadcast %broadcast_in_dim3A_82 : f32 to vector<64x128xf32>
      %swap3A_84 = arith.constant 0 : index
      %swap3A_85 = arith.constant 0 : index
      %swap3A_86 = vector.load %arg11[%swap3A_84, %swap3A_85] : memref<64x128xf32, #tpu.memory_space<vmem>>, vector<64x128xf32>
      tpu.vector_store %arg11[%swap3A_84, %swap3A_85], %broadcast_in_dim3A_83 {strides = array<i32>} : memref<64x128xf32, #tpu.memory_space<vmem>>, vector<64x128xf32>,
    } else {
    }
    %get3A = arith.constant 0 : index
    %get3A_2 = arith.constant 0 : index
    %get3A_3 = vector.load %arg2[%get3A, %get3A_2] : memref<1000x128xf32, #tpu.memory_space<vmem>>, vector<1000x128xf32>
    %get3A_4 = arith.constant 0 : index
    %get3A_5 = arith.constant 0 : index
    %get3A_6 = vector.load %arg3[%get3A_4, %get3A_5] : memref<1000x128xf32, #tpu.memory_space<vmem>>, vector<1000x128xf32>
    %add3A = arith.addf %get3A_3, %get3A_6 : vector<1000x128xf32>
    %get3A_7 = arith.constant 0 : index
    %get3A_8 = arith.constant 0 : index
    %get3A_9 = vector.load %arg4[%get3A_7, %get3A_8] : memref<1000x32xf32, #tpu.memory_space<vmem>>, vector<1000x32xf32>
    %reduce_sum3A = arith.constant dense<0.000000e+00> : vector<1000xf32>
    %reduce_sum3A_10 = vector.multi_reduction <add>, %get3A_9, %reduce_sum3A [1] : vector<1000x32xf32> to vector<1000xf32>
    %broadcast_in_dim3A = vector.shape_cast %reduce_sum3A_10 : vector<1000xf32> to vector<1000x1xf32>
    %max3A = arith.constant 1.000000e+00 : f32
    %max3A_11 = vector.broadcast %max3A : f32 to vector<1000x1xf32>
    %max3A_12 = arith.maximumf %broadcast_in_dim3A, %max3A_11 : vector<1000x1xf32>
    %div3A = vector.broadcast %max3A_12 : vector<1000x1xf32> to vector<1000x128xf32>
    %div3A_13 = arith.divf %add3A, %div3A : vector<1000x128xf32>
    %get3A_14 = arith.constant 0 : index
    %get3A_15 = arith.constant 0 : index
    %get3A_16 = vector.load %arg1[%get3A_14, %get3A_15] : memref<1000x128xf32, #tpu.memory_space<vmem>>, vector<1000x128xf32>
    %add3A_17 = arith.addf %get3A_16, %div3A_13 : vector<1000x128xf32>
    %get3A_18 = arith.constant 0 : index
    %get3A_19 = arith.constant 0 : index
    %get3A_20 = vector.load %arg6[%get3A_18, %get3A_19] : memref<128x128xf32, #tpu.memory_space<vmem>>, vector<128x128xf32>
    %dot_general3A = arith.constant dense<0.000000e+00> : vector<1000x128xf32>
    %dot_general3A_21 = tpu.matmul %add3A_17, %get3A_20, %dot_general3A {dimension_numbers = #tpu.dot_dimension_numbers<[1], [0], [0], [1], [0, 0, 1, 1], [], []>, transpose_lhs_hint = false} : vector<1000x128xf32>, vector<128x128xf32>, vector<1000x128xf32> -> vector<1000x128xf32>
    %max3A_22 = arith.constant 0.000000e+00 : f32
    %max3A_23 = vector.broadcast %max3A_22 : f32 to vector<1000x128xf32>
    %max3A_24 = arith.maximumf %dot_general3A_21, %max3A_23 : vector<1000x128xf32>
    %get3A_25 = arith.constant 0 : index
    %get3A_26 = arith.constant 0 : index
    %get3A_27 = arith.constant 0 : index
    %get3A_28 = vector.load %arg5[%get3A_25, %get3A_26, %get3A_27] : memref<1x1x1000xi32, #tpu.memory_space<vmem>>, vector<1x1x1000xi32>
    %get3A_29 = vector.shape_cast %get3A_28 : vector<1x1x1000xi32> to vector<1000xi32>
    %broadcast_in_dim3A_30 = vector.shape_cast %get3A_29 : vector<1000xi32> to vector<1000x1xi32>
    %iota3A = tpu.iota {dimensions = array<i32: 1>} : vector<1000x64xi32>
    %eq3A_31 = vector.broadcast %broadcast_in_dim3A_30 : vector<1000x1xi32> to vector<1000x64xi32>
    %eq3A_32 = arith.cmpi eq, %eq3A_31, %iota3A : vector<1000x64xi32>
    %convert_element_type3A_33 = arith.extui %eq3A_32 : vector<1000x64xi1> to vector<1000x64xi32>
    %convert_element_type3A_34 = arith.sitofp %convert_element_type3A_33 : vector<1000x64xi32> to vector<1000x64xf32>
    %get3A_35 = arith.constant 0 : index
    %get3A_36 = arith.constant 0 : index
    %get3A_37 = vector.load %arg10[%get3A_35, %get3A_36] : memref<64x128xf32, #tpu.memory_space<vmem>>, vector<64x128xf32>
    %dot_general3A_38 = arith.constant dense<0.000000e+00> : vector<64x128xf32>
    %dot_general3A_39 = tpu.matmul %convert_element_type3A_34, %max3A_24, %dot_general3A_38 {dimension_numbers = #tpu.dot_dimension_numbers<[0], [0], [1], [1], [0, 1, 1, 1], [], []>, transpose_lhs_hint = false} : vector<1000x64xf32>, vector<1000x128xf32>, vector<64x128xf32> -> vector<64x128xf32>
    %add3A_40 = arith.addf %get3A_37, %dot_general3A_39 : vector<64x128xf32>
    %swap3A = arith.constant 0 : index
    %swap3A_41 = arith.constant 0 : index
    %swap3A_42 = vector.load %arg10[%swap3A, %swap3A_41] : memref<64x128xf32, #tpu.memory_space<vmem>>, vector<64x128xf32>
    tpu.vector_store %arg10[%swap3A, %swap3A_41], %add3A_40 {strides = array<i32>} : memref<64x128xf32, #tpu.memory_space<vmem>>, vector<64x128xf32>,
    %reduce_sum3A_43 = arith.constant dense<0.000000e+00> : vector<64xf32>
    %reduce_sum3A_44 = vector.multi_reduction <add>, %convert_element_type3A_34, %reduce_sum3A_43 [0] : vector<1000x64xf32> to vector<64xf32>
    %get3A_45 = arith.constant 0 : index
    %get3A_46 = arith.constant 0 : index
    %get3A_47 = vector.load %arg11[%get3A_45, %get3A_46] : memref<64x128xf32, #tpu.memory_space<vmem>>, vector<64x128xf32>
    %broadcast_in_dim3A_48 = vector.shape_cast %reduce_sum3A_44 : vector<64xf32> to vector<64x1xf32>
    %add3A_49 = vector.broadcast %broadcast_in_dim3A_48 : vector<64x1xf32> to vector<64x128xf32>
    %add3A_50 = arith.addf %get3A_47, %add3A_49 : vector<64x128xf32>
    %swap3A_51 = arith.constant 0 : index
    %swap3A_52 = arith.constant 0 : index
    %swap3A_53 = vector.load %arg11[%swap3A_51, %swap3A_52] : memref<64x128xf32, #tpu.memory_space<vmem>>, vector<64x128xf32>
    tpu.vector_store %arg11[%swap3A_51, %swap3A_52], %add3A_50 {strides = array<i32>} : memref<64x128xf32, #tpu.memory_space<vmem>>, vector<64x128xf32>,
    %get3A_54 = arith.constant 0 : index
    %get3A_55 = arith.constant 0 : index
    %get3A_56 = vector.load %arg10[%get3A_54, %get3A_55] : memref<64x128xf32, #tpu.memory_space<vmem>>, vector<64x128xf32>
    %get3A_57 = arith.constant 0 : index
    %get3A_58 = arith.constant 0 : index
    %get3A_59 = vector.load %arg11[%get3A_57, %get3A_58] : memref<64x128xf32, #tpu.memory_space<vmem>>, vector<64x128xf32>
    %max3A_60 = arith.constant 1.000000e+00 : f32
    %max3A_61 = vector.broadcast %max3A_60 : f32 to vector<64x128xf32>
    %max3A_62 = arith.maximumf %get3A_59, %max3A_61 : vector<64x128xf32>
    %div3A_63 = arith.divf %get3A_56, %max3A_62 : vector<64x128xf32>
    %get3A_64 = arith.constant 0 : index
    %get3A_65 = arith.constant 0 : index
    %get3A_66 = vector.load %arg7[%get3A_64, %get3A_65] : memref<128x1xf32, #tpu.memory_space<vmem>>, vector<128x1xf32>
    %dot_general3A_67 = arith.constant dense<0.000000e+00> : vector<64x1xf32>
    %dot_general3A_68 = tpu.matmul %div3A_63, %get3A_66, %dot_general3A_67 {dimension_numbers = #tpu.dot_dimension_numbers<[1], [0], [0], [1], [0, 0, 1, 1], [], []>, transpose_lhs_hint = false} : vector<64x128xf32>, vector<128x1xf32>, vector<64x1xf32> -> vector<64x1xf32>
    %get3A_69 = arith.constant 0 : index
    %get3A_70 = arith.constant 0 : index
    %get3A_71 = memref.load %arg8[%get3A_69, %get3A_70] : memref<1x1xf32, #tpu.memory_space<smem>>
    %add3A_72 = vector.broadcast %get3A_71 : f32 to vector<64x1xf32>
    %add3A_73 = arith.addf %dot_general3A_68, %add3A_72 : vector<64x1xf32>
    %swap3A_74 = arith.constant 0 : index
    %swap3A_75 = arith.constant 0 : index
    %swap3A_76 = vector.load %arg9[%swap3A_74, %swap3A_75] : memref<64x1xf32, #tpu.memory_space<vmem>>, vector<64x1xf32>
    tpu.vector_store %arg9[%swap3A_74, %swap3A_75], %add3A_73 {strides = array<i32>} : memref<64x1xf32, #tpu.memory_space<vmem>>, vector<64x1xf32>,
    return
  }
  func.func @transform_0(%arg0: i32) -> (i32, i32) {
    %c0_i32 = arith.constant 0 : i32
    %c0_i32_0 = arith.constant 0 : i32
    return %arg0, %c0_i32 : i32, i32
  }
  func.func @transform_1(%arg0: i32) -> (i32, i32) {
    %c0_i32 = arith.constant 0 : i32
    %c0_i32_0 = arith.constant 0 : i32
    return %arg0, %c0_i32 : i32, i32
  }
  func.func @transform_2(%arg0: i32) -> (i32, i32) {
    %c0_i32 = arith.constant 0 : i32
    %c0_i32_0 = arith.constant 0 : i32
    return %arg0, %c0_i32 : i32, i32
  }
  func.func @transform_3(%arg0: i32) -> (i32, i32) {
    %c0_i32 = arith.constant 0 : i32
    %c0_i32_0 = arith.constant 0 : i32
    return %arg0, %c0_i32 : i32, i32
  }
  func.func @transform_4(%arg0: i32) -> (i32, i32, i32) {
    %c0_i32 = arith.constant 0 : i32
    %c0_i32_0 = arith.constant 0 : i32
    %c0_i32_1 = arith.constant 0 : i32
    return %arg0, %c0_i32, %c0_i32_0 : i32, i32, i32
  }
  func.func @transform_5(%arg0: i32) -> (i32, i32) {
    %c0_i32 = arith.constant 0 : i32
    %c0_i32_0 = arith.constant 0 : i32
    %c0_i32_1 = arith.constant 0 : i32
    return %c0_i32, %c0_i32_0 : i32, i32
  }
  func.func @transform_6(%arg0: i32) -> (i32, i32) {
    %c0_i32 = arith.constant 0 : i32
    %c0_i32_0 = arith.constant 0 : i32
    %c0_i32_1 = arith.constant 0 : i32
    return %c0_i32, %c0_i32_0 : i32, i32
  }
  func.func @transform_7(%arg0: i32) -> (i32, i32) {
    %c0_i32 = arith.constant 0 : i32
    %c0_i32_0 = arith.constant 0 : i32
    %c0_i32_1 = arith.constant 0 : i32
    return %c0_i32, %c0_i32_0 : i32, i32
  }
  func.func @transform_8(%arg0: i32) -> (i32, i32) {
    %c0_i32 = arith.constant 0 : i32
    %c0_i32_0 = arith.constant 0 : i32
    %c0_i32_1 = arith.constant 0 : i32
    return %c0_i32, %c0_i32_0 : i32, i32
  }
}

</mosaic_0001>

<sc_bundles>
// kernel: kernel.5.cloned.1.call-start
scs
__scs_entry_jumppad:
0x0: {  	(pc) =	sbr.rel $0x88, $3  }
0x1: {  	(tag) =	ssettag $0x0;
	lr =	simm.s32 $0x1  }
0x2: {  	[smem:$0x3F99] =	sst lr;
	_ =	strace $0xD0000000  }
0x3: {  	_ = 	snop  }
0x4: {  	_ = 	snop  }
0x5: {  	_ = 	snop  }
0x6: {  	_ = 	snop  }
0x7: {  	_ = 	snop  }
__scs_overlays_trampoline_lowered:
0x8: {  	[smem:$0x3FA8] =	sst s0  }
0x9: {  	[smem:$0x3FA9] =	sst s1  }
0xa: {  	[smem:$0x3FAA] =	sst s2  }
0xb: {  	[smem:$0x3FAB] =	sst s3  }
0xc: {  	[smem:$0x3FAC] =	sst s4  }
0xd: {  	[smem:$0x3FAD] =	sst s5  }
0xe: {  	[smem:$0x3FAE] =	sst s6  }
0xf: {  	[smem:$0x3FAF] =	sst s7  }
0x10: {  	[smem:$0x3FB0] =	sst s8  }
0x11: {  	[smem:$0x3FB1] =	sst s9;
	s0 =	simm.s32 @!p0 $0x0  }
0x12: {  	s1 =	sld [smem:$0x3F97];
	s0 =	simm.s32 @p0 $0x1  }
0x13: {  	[smem:$0x3FB2] =	sst s0;
	s0 =	simm.s32 @!p1 $0x0  }
0x14: {  	s2 =	sld [smem:$0x3F96];
	s0 =	simm.s32 @p1 $0x1  }
0x15: {  	[smem:$0x3FB3] =	sst s0;
	s0 =	simm.s32 @!p2 $0x0  }
0x16: {  	s3 =	sld [smem:$0x3FDB];
	s0 =	simm.s32 @p2 $0x1  }
0x17: {  	s4 =	simm.s32 $0x1BF5;
	[smem:$0x3FB5] =	sst s0  }
0x18: {  	s0 =	sld [smem:$0x3F98];
	_ =	swait.ge [sflag:s4], $0x0  }
0x19: {  	s7 =	sld [smem:$0x3F99]  }
0x1a: {  	s8 =	sadd.s32 $0xFFFFE003, lr  }
0x1b: {  	s9 =	sadd.s32 $0xFFFFFEF7, lr;
	s5 =	simm.s32 $0xFFFFFFFF;
	p2 =	slt.u32 s8, $0xFFFFF086  }
0x1c: {  	p1 =	slt.u32 s9, $0xF7A;
	s5 =	simm.s32 @!p2 $0x0  }
0x1d: {  	s5 =	simm.s32 @p1 $0x1;
	p0 =	seq.s32 s7, s2  }
0x1e: {  	s7 =	smul.u32 @!p0 $0xF7A, s2;
	p2 =	seq.s32 @!p0 s5, $0x0  }
0x1f: {  	s9 =	smul.u32 $0xF7A, s1;
	s8 =	simm.s32 @!p0 $0x1BF5;
	p2 =	por !p2, p0  }
0x20: {  	[sflag:s8] =	ssyncset.s32 @!p0 $0xFFFFF086;
	s6 =	sadd.s32 @!p0 s3, s7;
	s7 =	simm.s32 @!p0 $0x108  }
0x21: {  	s3 =	sadd.s32 s3, s9;
	s6 =	sadd.s32 @!p0 $0x88, s6;
	s7 =	simm.s32 @p2 $0x1082  }
0x22: {  	[simem:s7], [sflag:s8] =	dma.local @!p0 [hbm:s6], $0xF7A  }
0x23: {  	s9 =	sor.u32 $0xD0000000, s2;
	s6 =	simm.s32 $0x108;
	_ =	swait.ge @!p0 [sflag:s8], $0x0  }
0x24: {  	s3 =	sadd.s32 $0x88, s3;
	s6 =	simm.s32 @!p1 $0x1082;
	[sflag:s4] =	ssyncset.s32 $0xFFFFF086  }
0x25: {  	[simem:s6], [sflag:s4] =	dma.local [hbm:s3], $0xF7A  }
0x26: {  	[smem:$0x3F99] =	sst s1;
	(tag) =	ssettag s2;
	_ =	strace s9  }
0x27: {  	s1 =	sld [smem:$0x3FA9]  }
0x28: {  	s2 =	sld [smem:$0x3FAA]  }
0x29: {  	s4 =	sld [smem:$0x3FAC]  }
0x2a: {  	p0 =	seq.s32 s5, $0x0;
	s5 =	sld [smem:$0x3FAD]  }
0x2b: {  	s6 =	sld [smem:$0x3FAE]  }
0x2c: {  	s7 =	sld [smem:$0x3FAF]  }
0x2d: {  	s3 =	simm.s32 $0x108;
	s8 =	sld [smem:$0x3FB0]  }
0x2e: {  	s3 =	simm.s32 @!p0 $0x1082;
	s9 =	sld [smem:$0x3FB1]  }
0x2f: {  	lr =	sadd.s32 s0, s3;
	s0 =	sld [smem:$0x3FA8]  }
0x30: {  	s3 =	sld [smem:$0x3FAB]  }
0x31: {  	[smem:$0x3FB4] =	sst s10  }
0x32: {  	s10 =	sld [smem:$0x3FB2];
	_ =	sdelay $0x3  }
0x33: {  	p0 =	seq.s32 s10, $0x1;
	s10 =	sld [smem:$0x3FB4];
	_ =	sdelay $0x3  }
0x34: {  	[smem:$0x3FB4] =	sst s10  }
0x35: {  	s10 =	sld [smem:$0x3FB3];
	_ =	sdelay $0x3  }
0x36: {  	p1 =	seq.s32 s10, $0x1;
	s10 =	sld [smem:$0x3FB4];
	_ =	sdelay $0x3  }
0x37: {  	[smem:$0x3FB4] =	sst s10  }
0x38: {  	s10 =	sld [smem:$0x3FB5]  }
0x39: {  	_ = 	snop;
	(pc) =	sbr.ind lr, $3  }
0x3a: {  	_ = 	snop  }
0x3b: {  	_ = 	snop  }
0x3c: {  	p2 =	seq.s32 s10, $0x1;
	s10 =	sld [smem:$0x3FB4]  }
0x3d: {  	_ =	shalt  }
0x3e: {  	_ =	shalt  }
0x3f: {  	_ =	shalt  }
0x40: {  	_ =	shalt  }
0x41: {  	_ =	shalt  }
0x42: {  	_ =	shalt  }
0x43: {  	_ =	shalt  }
0x44: {  	_ =	shalt  }
0x45: {  	_ =	shalt  }
0x46: {  	_ =	shalt  }
0x47: {  	_ =	shalt  }
0x48: {  	_ =	shalt  }
0x49: {  	_ =	shalt  }
0x4a: {  	_ =	shalt  }
0x4b: {  	_ =	shalt  }
0x4c: {  	_ =	shalt  }
0x4d: {  	_ =	shalt  }
0x4e: {  	_ =	shalt  }
0x4f: {  	_ =	shalt  }
0x50: {  	_ =	shalt  }
0x51: {  	_ =	shalt  }
0x52: {  	_ =	shalt  }
0x53: {  	_ =	shalt  }
0x54: {  	_ =	shalt  }
0x55: {  	_ =	shalt  }
0x56: {  	_ =	shalt  }
0x57: {  	_ =	shalt  }
0x58: {  	_ =	shalt  }
0x59: {  	_ =	shalt  }
0x5a: {  	_ =	shalt  }
0x5b: {  	_ =	shalt  }
0x5c: {  	_ =	shalt  }
0x5d: {  	_ =	shalt  }
0x5e: {  	_ =	shalt  }
0x5f: {  	_ =	shalt  }
0x60: {  	_ =	shalt  }
0x61: {  	_ =	shalt  }
0x62: {  	_ =	shalt  }
0x63: {  	_ =	shalt  }
0x64: {  	_ =	shalt  }
0x65: {  	_ =	shalt  }
0x66: {  	_ =	shalt  }
0x67: {  	_ =	shalt  }
0x68: {  	_ =	shalt  }
0x69: {  	_ =	shalt  }
0x6a: {  	_ =	shalt  }
0x6b: {  	_ =	shalt  }
0x6c: {  	_ =	shalt  }
0x6d: {  	_ =	shalt  }
0x6e: {  	_ =	shalt  }
0x6f: {  	_ =	shalt  }
0x70: {  	_ =	shalt  }
0x71: {  	_ =	shalt  }
0x72: {  	_ =	shalt  }
0x73: {  	_ =	shalt  }
0x74: {  	_ =	shalt  }
0x75: {  	_ =	shalt  }
0x76: {  	_ =	shalt  }
0x77: {  	_ =	shalt  }
0x78: {  	_ =	shalt  }
0x79: {  	_ =	shalt  }
0x7a: {  	_ =	shalt  }
0x7b: {  	_ =	shalt  }
0x7c: {  	_ =	shalt  }
0x7d: {  	_ =	shalt  }
0x7e: {  	_ =	shalt  }
0x7f: {  	_ =	shalt  }
0x80: {  	_ =	shalt  }
0x81: {  	_ =	shalt  }
0x82: {  	_ =	shalt  }
0x83: {  	_ =	shalt  }
0x84: {  	_ =	shalt  }
0x85: {  	_ =	shalt  }
0x86: {  	_ =	shalt  }
0x87: {  	_ =	shalt  }
.Lfunc_end0:
.L_simem_size_0:
called_computation_lowered:
.L_overlay_start_0:
0x88: {  	s2 =	sld [smem:$0x3FD9]  }
0x89: {  	s3 =	sld [smem:$0x3FFE];
	_ =	sdelay $0x1  }
0x8a: {  	s1 =	srdreg.scid  }
0x8b: {  	s0 =	sand.u32 $0x1, s1  }
0x8c: {  	s17 =	sshll.u32 s0, $0xA;
	s2 =	sadd.s32 s3, s2  }
0x8d: {  	s2 =	sadd.s32 s2, s17  }
0x8e: {  	[smem:$0x3FC0] =	sst s2  }
0x8f: {  	_ = 	snop  }
0x90: {  	s2 =	sld [smem:$0x3FC9];
	(tm) =	ssettm $0x1  }
0x91: {  	s18 =	sld [smem:$0x3FFB];
	_ =	sdelay $0x3  }
0x92: {  	_ =	strace s18  }
0x93: {  	s3 =	sld [smem:$0x3FFC];
	_ =	sdelay $0x3  }
0x94: {  	_ =	strace s3  }
0x95: {  	s3 =	sld [smem:$0x3FFD];
	_ =	sdelay $0x3  }
0x96: {  	_ =	strace s3  }
0x97: {  	_ =	strace $0x8FFFFFFF  }
0x98: {  	s19 =	sld [smem:$0x3FDB];
	_ =	sdelay $0x1  }
0x99: {  	s4 =	simm.s32 $_scs_section_size  }
0x9a: {  	s5 =	simm.s32 $_size__tile_overlayer_lowered;
	s6 =	simm.s32 $_tile_overlayer_lowered  }
0x9b: {  	s22 =	simm.s32 $0x1BFF;
	s21 =	sshll.u32 s6, $0x1;
	s3 =	sadd.s32 s4, s19  }
0x9c: {  	s7 =	simm.s32 $0x0;
	s20 =	sshll.u32 s5, $0x1;
	s5 =	sadd.s32 s21, s3  }
0x9d: {  	[timem:s7], [sflag:s22] =	dma.local [hbm:s5], s20  }
0x9e: {  	_ =	swait.ge [sflag:s22], s20  }
0x9f: {  	s4 =	ssub.s32 $0x0, s20;
	[sflag:s22] =	ssyncset.done $0x0  }
0xa0: {  	[sflag:s22] =	ssyncadd.s32 s4;
	_ =	sdelay $0x1  }
0xa1: {  	s23 =	simm.s32 $0x1B8B  }
0xa2: {  	_ =	swait.ge [sflag:s23], $0x1  }
0xa3: {  	[sflag:s23] =	ssyncset.done $0x0  }
0xa4: {  	s25 =	simm.s32 $0x1B8E;
	s24 =	sld [smem:$0x3FFE];
	[sflag:s23] =	ssyncadd.s32 $0xFFFFFFFF  }
0xa5: {  	s26 =	simm.s32 $execute0_lowered;
	[smem:$0x3FD2] =	sst s25  }
0xa6: {  	s5 =	sshll.u32 s26, $0x1;
	_ =	strace $0x80000046;
	[dreg:$0x1] =	wrdreg $0xFFFFFFFF  }
0xa7: {  	s28 =	simm.s32 $_size_execute0_lowered;
	s3 =	sadd.s32 s3, s5;
	[dreg:$0x0] =	wrdreg $0x0  }
0xa8: {  	s5 =	sshll.u32 s28, $0x1;
	[dreg:$0x2] =	wrdreg s3  }
0xa9: {  	[dreg:$0x3] =	wrdreg s5  }
0xaa: {  	[dreg:$0x4] =	wrdreg $0xC0  }
0xab: {  	_ =	task [dreg:s7], $0x5FFFF  }
0xac: {  	[dreg:$0x1] =	wrdreg $0xFFFFFFFF  }
0xad: {  	[dreg:$0x0] =	wrdreg $0x60  }
0xae: {  	[dreg:$0x2] =	wrdreg s2  }
0xaf: {  	[dreg:$0x3] =	wrdreg s24  }
0xb0: {  	[dreg:$0x4] =	wrdreg $0xA8300  }
0xb1: {  	[dreg:$0x5] =	wrdreg $0x9  }
0xb2: {  	_ =	task.clear_ibuf [dreg:s7], $0x6FFFF;
	_ =	strace $0x90000046  }
0xb3: {  	s29 =	simm.s32 $0x9;
	_ =	strace $0x80000048  }
0xb4: {  	_ =	swait.ge [sflag:s29], $0x1  }
0xb5: {  	[sflag:s29] =	ssyncadd.s32 $0xFFFFFFFF  }
0xb6: {  	_ =	strace $0x90000048  }
0xb7: {  	_ =	sfence  }
0xb8: {  	s30 =	sld [smem:$0x0];
	_ =	sdelay $0x2  }
0xb9: {  	s31 =	sshll.u32 s1, $0xD;
	s1 =	sshrl.u32 s1, $0x2  }
0xba: {  	s3 =	sand.u32 $0x4000, s31;
	s1 =	sadd.s32 s1, s30  }
0xbb: {  	s0 =	sor.u32 s3, s0;
	s1 =	sshll.u32 s1, $0x11  }
0xbc: {  	s0 =	sor.u32 s1, s0  }
0xbd: {  	s0 =	sadd.s32 $0x8F2B, s0  }
0xbe: {  	[sflag:s0] =	ssyncadd.remote.s32 $0x1  }
0xbf: {  	_ =	sfence.sel $0xFFFF  }
0xc0: {  	[dreg:$0x0] =	wrdreg $0xFFFFFFFF;
	(pc) =	sbr.abs _section_cstart, $3  }
0xc1: {  	[dreg:$0x1] =	wrdreg $0xFFFFFFFF  }
0xc2: {  	_ =	task.clear_ibuf [dreg:s7], $0x2FFFF;
	_ =	strace $0x9FFFFFFF  }
0xc3: {  	(tm) =	ssettm $0x7FFFFFFF  }
tec
execute0_lowered:
.L_overlay_start_1:
0x0: {  	(tag) =	ssettag $0x1  }
0x1: {  	s1 =	rddreg [dreg:$0x0]  }
0x2: {  	s0 =	rddreg [dreg:$0x1]  }
0x3: {  	s2 =	rddreg [dreg:$0x2];
	s3 =	simm.s32 $0x0  }
0x4: {  	s4 =	srdreg.scid;
	s10 =	stileid.u32;
	s28 =	simm.s32 $0x2  }
0x5: {  	s29 =	simm.s32 $0x8120;
	s30 =	simm.s32 $0x80;
	s31 =	simm.s32 $0x1  }
0x6: {  	[smem:$0x7FF] =	sst s3;
	s4 =	sand.u32 $0x1, s4;
	s5 =	sadd.s32 $0xB200, s0  }
0x7: {  	s6 =	sadd.s32 $0x1400, s0;
	s9 =	sadd.s32 $0x15000, s0;
	s18 =	sadd.s32 $0x15800, s0  }
0x8: {  	s16 =	sadd.s32 $0x15E00, s0;
	_ =	strace $0x80000047;
	s7 =	sshll.u32 s4, $0x4  }
0x9: {  	[dreg:$0x4] =	wrdreg s9;
	s19 =	ssub.s32 $0x2, s4;
	s4 =	smul.u32 $0x138800, s4  }
0xa: {  	[dreg:$0x5] =	wrdreg s18;
	s8 =	sor.u32 s10, s7;
	s10 =	smul.u32 $0x13880, s10  }
0xb: {  	s7 =	sadd.s32 $0x4F7000, s0;
	s12 =	sshrl.u32 s19, $0x1;
	s9 =	smul.u32 $0x2710, s8  }
0xc: {  	s8 =	ssub.s32 s19, s12;
	s17 =	sadd.s32 $0x3E80, s10;
	s18 =	sadd.s32 $0x7D00, s10  }
0xd: {  	s19 =	sadd.s32 $0xBB80, s10;
	s20 =	sadd.s32 $0xFA00, s10;
	s11 =	sshrl.u32 s9, $0x3  }
0xe: {  	s12 =	sadd.s32 s17, s2;
	s13 =	sadd.s32 s18, s2;
	s14 =	sadd.s32 s19, s2  }
0xf: {  	s15 =	sadd.s32 s20, s2;
	s21 =	sadd.s32 $0x2700, s9;
	s17 =	sadd.s32 s4, s17  }
0x10: {  	s18 =	sadd.s32 s4, s18;
	s19 =	sadd.s32 s4, s19;
	s0 =	sadd.s32 s11, s0  }
0x11: {  	s11 =	sadd.s32 s10, s2;
	s10 =	sadd.s32 s10, s4;
	s4 =	sadd.s32 s4, s20  }
0x12: {  	s22 =	sshrl.u32 s21, $0x3;
	s17 =	sshrl.u32 s17, $0x3;
	s23 =	sshll.u32 s21, $0x4  }
0x13: {  	s21 =	sshrl.u32 s18, $0x3;
	s24 =	sshrl.u32 s19, $0x3;
	s10 =	sshrl.u32 s10, $0x3  }
0x14: {  	s20 =	sadd.s32 s16, s17;
	s4 =	sshrl.u32 s4, $0x3;
	s25 =	sadd.s32 s16, s24  }
0x15: {  	s26 =	sadd.s32 s5, s22;
	s22 =	sadd.s32 s6, s22;
	s23 =	sadd.s32 s7, s23  }
0x16: {  	s24 =	sadd.s32 $0x64000, s0;
	s0 =	simm.s32 $0x4120;
	[dreg:$0x7] =	wrdreg s20  }
0x17: {  	s10 =	sadd.s32 s16, s10;
	[dreg:$0x9] =	wrdreg s25;
	s4 =	sadd.s32 s16, s4  }
0x18: {  	[dreg:$0xb] =	wrdreg s26;
	s25 =	smax.u32 s8, $0x1;
	s26 =	simm.s32 $0x120  }
0x19: {  	s8 =	simm.s32 $0x110;
	[dreg:$0x6] =	wrdreg s10;
	s10 =	sadd.s32 s16, s21  }
0x1a: {  	[dreg:$0xa] =	wrdreg s4;
	s4 =	simm.s32 $0x100;
	s16 =	simm.s32 $0x0  }
0x1b: {  	v0 =	vimm.f32 $1.000000000e+00;
	s21 =	simm.s32 $0x0;
	[dreg:$0x8] =	wrdreg s10;
	s10 =	simm.s32 $0x10  }
.LBB2_1:
0x1c: {  	s17 =	rddreg [dreg:$0x4]  }
0x1d: {  	[tilespmem:s26], [sflag:$0x2] =	stream.linear.gather [hbm4b:s17+s3], $0x4000, $0x38;
	[tilespmem:$0x1E0B0] =	vst v63  }
0x1e: {  	_ =	swait.ge [sflag:s28], $0x4000  }
0x1f: {  	[sflag:s28] =	ssyncset.done $0x0  }
0x20: {  	s20 =	rddreg [dreg:$0x5];
	[sflag:s28] =	ssyncadd.s32 $0xFFFFC000  }
0x21: {  	[tilespmem:s29], [sflag:$0x2] =	stream.linear.gather [hbm4b:s20+s3], $0x2710, $0x38;
	[tilespmem:$0x1E0B0] =	vst v63  }
0x22: {  	_ =	swait.ge [sflag:s28], $0x2710  }
0x23: {  	[sflag:s28] =	ssyncset.done $0x0  }
0x24: {  	[sflag:s28] =	ssyncadd.s32 $0xFFFFD8F0  }
0x25: {  	[spmem:s11] =	stream.linear.scatter [tilespmem:s26], [sflag:$0x2], $0x3E80, $0x38;
	[tilespmem:$0x1E0B0] =	vst v63  }
0x26: {  	_ =	swait.ge [sflag:s28], $0x3E80  }
0x27: {  	[sflag:s28] =	ssyncset.done $0x0  }
0x28: {  	[sflag:s28] =	ssyncadd.s32 $0xFFFFC180  }
0x29: {  	[spmem:s12] =	stream.linear.scatter [tilespmem:s26], [sflag:$0x2], $0x3E80, $0x38;
	[tilespmem:$0x1E0B0] =	vst v63  }
0x2a: {  	_ =	swait.ge [sflag:s28], $0x3E80  }
0x2b: {  	[sflag:s28] =	ssyncset.done $0x0  }
0x2c: {  	[sflag:s28] =	ssyncadd.s32 $0xFFFFC180  }
0x2d: {  	[spmem:s13] =	stream.linear.scatter [tilespmem:s26], [sflag:$0x2], $0x3E80, $0x38;
	[tilespmem:$0x1E0B0] =	vst v63  }
0x2e: {  	_ =	swait.ge [sflag:s28], $0x3E80  }
0x2f: {  	[sflag:s28] =	ssyncset.done $0x0  }
0x30: {  	[sflag:s28] =	ssyncadd.s32 $0xFFFFC180  }
0x31: {  	[spmem:s14] =	stream.linear.scatter [tilespmem:s26], [sflag:$0x2], $0x3E80, $0x38;
	[tilespmem:$0x1E0B0] =	vst v63  }
0x32: {  	_ =	swait.ge [sflag:s28], $0x3E80  }
0x33: {  	[sflag:s28] =	ssyncset.done $0x0  }
0x34: {  	[sflag:s28] =	ssyncadd.s32 $0xFFFFC180  }
0x35: {  	[spmem:s15] =	stream.linear.scatter [tilespmem:s26], [sflag:$0x2], $0x3E80, $0x38;
	[tilespmem:$0x1E0B0] =	vst v63  }
0x36: {  	_ =	swait.ge [sflag:s28], $0x3E80  }
0x37: {  	[sflag:s28] =	ssyncset.done $0x0  }
0x38: {  	[sflag:s28] =	ssyncadd.s32 $0xFFFFC180  }
0x39: {  	s17 =	simm.s32 $0x0;
	[bflag:$0x0] =	sbarrier.arrive $0xFFFF  }
.LBB2_2:
0x3a: {  	s18 =	sshll.u32 s17, $0x7  }
0x3b: {  	s18 =	sadd.s32 s9, s18  }
0x3c: {  	s19 =	sshrl.u32 s18, $0x3  }
0x3d: {  	s20 =	sadd.s32 s5, s19  }
0x3e: {  	[tilespmem:s21], [sflag:$0x2] =	stream.linear.gather [hbm4b:s20+s21], $0x80, $0x38;
	[tilespmem:$0x1E0B0] =	vst v63  }
0x3f: {  	_ =	swait.ge [sflag:s28], $0x80  }
0x40: {  	[sflag:s28] =	ssyncset.done $0x0  }
0x41: {  	s19 =	sadd.s32 s6, s19;
	[sflag:s28] =	ssyncadd.s32 $0xFFFFFF80  }
0x42: {  	[tilespmem:s30], [sflag:$0x2] =	stream.linear.gather [hbm4b:s19+s21], $0x80, $0x38;
	[tilespmem:$0x1E0B0] =	vst v63  }
0x43: {  	_ =	swait.ge [sflag:s28], $0x80  }
0x44: {  	[sflag:s28] =	ssyncset.done $0x0  }
0x45: {  	[sflag:s28] =	ssyncadd.s32 $0xFFFFFF80  }
0x46: {  	[tilespmem:s26], [sflag:$0x1] =	stream.indirect.gather [hbm4b:s1+s30], $0x80, s21, s30, $0xb8;
	[tilespmem:$0x1E0B0] =	vst v63  }
0x47: {  	_ =	swait.ge [sflag:s31], $0x4000  }
0x48: {  	s18 =	sshll.u32 s18, $0x4;
	[sflag:s31] =	ssyncset.done $0x0  }
0x49: {  	s18 =	sadd.s32 s7, s18;
	[sflag:s31] =	ssyncadd.s32 $0xFFFFC000  }
0x4a: {  	[tilespmem:s0], [sflag:$0x2] =	stream.linear.gather [hbm4b:s18+s21], $0x4000, $0x38;
	[tilespmem:$0x1E0B0] =	vst v63  }
0x4b: {  	_ =	swait.ge [sflag:s28], $0x4000  }
0x4c: {  	[sflag:s28] =	ssyncset.done $0x0  }
0x4d: {  	s18 =	simm.s32 $0x0;
	[sflag:s28] =	ssyncadd.s32 $0xFFFFC000  }
0x4e: {  	v8 =	vld [tilespmem:s18+$0x4120]  }
0x4f: {  	v12 =	vld [tilespmem:s18+$0x4130]  }
0x50: {  	v6 =	vld [tilespmem:s18+$0x4140]  }
0x51: {  	v5 =	vld [tilespmem:s18+$0x4150]  }
0x52: {  	v4 =	vld [tilespmem:s18+$0x4160]  }
0x53: {  	v3 =	vld [tilespmem:s18+$0x4170]  }
0x54: {  	v2 =	vld [tilespmem:s18+$0x4180]  }
0x55: {  	v1 =	vld [tilespmem:s18+$0x4190]  }
0x56: {  	v13 =	vld [tilespmem:s18+$0x120]  }
0x57: {  	v14 =	vld [tilespmem:s18+$0x130]  }
0x58: {  	v11 =	vld [tilespmem:s18+$0x140]  }
0x59: {  	v10 =	vld [tilespmem:s18+$0x150]  }
0x5a: {  	v9 =	vld [tilespmem:s18+$0x160]  }
0x5b: {  	v7 =	vld [tilespmem:s18+$0x170];
	v13 =	vmul.f32 v8, v13  }
0x5c: {  	s19 =	simm.s32 $0x200;
	v12 =	vmul.f32 v12, v14;
	v8 =	vld [tilespmem:s18+$0x180]  }
.LBB2_3:
0x5d: {  	s20 =	sshra.s32 s19, $0x2;
	p0 =	sne.s32 s19, $0xFE00;
	[tilespmem:s18+$0x120] =	vst v13;
	v6 =	vmul.f32 v6, v11;
	v11 =	vld [tilespmem:s18+$0x190]  }
0x5e: {  	v13 =	vld [tilespmem:s20+$0x4120];
	[tilespmem:s18+$0x130] =	vst v12;
	v5 =	vmul.f32 v5, v10  }
0x5f: {  	v12 =	vld [tilespmem:s20+$0x4130];
	[tilespmem:s18+$0x140] =	vst v6;
	v4 =	vmul.f32 v4, v9  }
0x60: {  	v6 =	vld [tilespmem:s20+$0x4140];
	[tilespmem:s18+$0x150] =	vst v5;
	v3 =	vmul.f32 v3, v7  }
0x61: {  	v5 =	vld [tilespmem:s20+$0x4150];
	[tilespmem:s18+$0x160] =	vst v4;
	v2 =	vmul.f32 v2, v8  }
0x62: {  	v4 =	vld [tilespmem:s20+$0x4160];
	[tilespmem:s18+$0x170] =	vst v3;
	v1 =	vmul.f32 v1, v11  }
0x63: {  	v3 =	vld [tilespmem:s20+$0x4170];
	[tilespmem:s18+$0x180] =	vst v2  }
0x64: {  	v2 =	vld [tilespmem:s20+$0x4180];
	[tilespmem:s18+$0x190] =	vst v1;
	s18 =	smov.u32 s20  }
0x65: {  	v1 =	vld [tilespmem:s18+$0x4190]  }
0x66: {  	v7 =	vld [tilespmem:s18+$0x120]  }
0x67: {  	v8 =	vld [tilespmem:s18+$0x130]  }
.Ltmp0:
0x68: {  	v11 =	vld [tilespmem:s18+$0x140];
	(pc) =	sbr.rel @p0 .LBB2_3-.Ltmp0, $4  }
0x69: {  	v10 =	vld [tilespmem:s18+$0x150]  }
0x6a: {  	v9 =	vld [tilespmem:s18+$0x160]  }
0x6b: {  	v13 =	vmul.f32 v13, v7;
	v7 =	vld [tilespmem:s18+$0x170]  }
0x6c: {  	s19 =	sadd.s32 $0x200, s19;
	v12 =	vmul.f32 v12, v8;
	v8 =	vld [tilespmem:s18+$0x180]  }
0x6d: {  	[tilespmem:s18+$0x120] =	vst v13;
	v6 =	vmul.f32 v6, v11;
	v63 =	vld [tilespmem:s18+$0x190]  }
0x6e: {  	[tilespmem:s18+$0x130] =	vst v12;
	v5 =	vmul.f32 v5, v10  }
0x6f: {  	[tilespmem:s18+$0x140] =	vst v6;
	v4 =	vmul.f32 v4, v9  }
0x70: {  	[tilespmem:s18+$0x150] =	vst v5;
	v3 =	vmul.f32 v3, v7  }
0x71: {  	[tilespmem:s18+$0x160] =	vst v4;
	v2 =	vmul.f32 v2, v8  }
0x72: {  	[tilespmem:s18+$0x170] =	vst v3;
	v1 =	vmul.f32 v1, v63  }
0x73: {  	[tilespmem:s18+$0x180] =	vst v2  }
0x74: {  	[tilespmem:s18+$0x190] =	vst v1  }
0x75: {  	v1 =	vld [tilespmem:$0x80];
	_ =	sdelay $0x7  }
0x76: {  	[tilespmem:v1+s29+$0x0] =	vst.idx.add.f32.msk $0xffff, v0  }
0x77: {  	v1 =	vld [tilespmem:$0x90];
	_ =	sdelay $0x7  }
0x78: {  	[tilespmem:v1+s29+$0x0] =	vst.idx.add.f32.msk $0xffff, v0  }
0x79: {  	v1 =	vld [tilespmem:$0xA0];
	_ =	sdelay $0x7  }
0x7a: {  	[tilespmem:v1+s29+$0x0] =	vst.idx.add.f32.msk $0xffff, v0  }
0x7b: {  	v1 =	vld [tilespmem:$0xB0];
	_ =	sdelay $0x7  }
0x7c: {  	[tilespmem:v1+s29+$0x0] =	vst.idx.add.f32.msk $0xffff, v0  }
0x7d: {  	v1 =	vld [tilespmem:$0xC0];
	_ =	sdelay $0x7  }
0x7e: {  	[tilespmem:v1+s29+$0x0] =	vst.idx.add.f32.msk $0xffff, v0  }
0x7f: {  	v1 =	vld [tilespmem:$0xD0];
	_ =	sdelay $0x7  }
0x80: {  	[tilespmem:v1+s29+$0x0] =	vst.idx.add.f32.msk $0xffff, v0  }
0x81: {  	v1 =	vld [tilespmem:$0xE0];
	_ =	sdelay $0x7  }
0x82: {  	[tilespmem:v1+s29+$0x0] =	vst.idx.add.f32.msk $0xffff, v0  }
0x83: {  	v1 =	vld [tilespmem:$0xF0];
	_ =	sdelay $0x5  }
0x84: {  	s17 =	sadd.s32 $0x1, s17  }
0x85: {  	p0 =	sne.s32 s17, $0x4E  }
.Ltmp1:
0x86: {  	[tilespmem:v1+s29+$0x0] =	vst.idx.add.f32.msk $0xffff, v0;
	(pc) =	sbr.rel @p0 .LBB2_2-.Ltmp1, $4  }
0x87: {  	[spmem:s2] =	stream.indirect.scatter.add.f32 [tilespmem:s26], [sflag:$0x2], $0x80, s30, s30, $0xb8;
	[tilespmem:$0x1E0B0] =	vst v63  }
0x88: {  	_ =	swait.ge [sflag:s28], $0x4000  }
0x89: {  	[sflag:s28] =	ssyncset.done $0x0  }
0x8a: {  	[sflag:s28] =	ssyncadd.s32 $0xFFFFC000  }
0x8b: {  	s17 =	simm.s32 $0x0;
	s18 =	rddreg [dreg:$0xb]  }
0x8c: {  	[tilespmem:s4], [sflag:$0x2] =	stream.linear.gather [hbm4b:s18+s17], $0x10, $0x38;
	[tilespmem:$0x1E0B0] =	vst v63  }
0x8d: {  	_ =	swait.ge [sflag:s28], $0x10  }
0x8e: {  	[sflag:s28] =	ssyncset.done $0x0  }
0x8f: {  	[sflag:s28] =	ssyncadd.s32 $0xFFFFFFF0  }
0x90: {  	[tilespmem:s8], [sflag:$0x2] =	stream.linear.gather [hbm4b:s22+s17], $0x10, $0x38;
	[tilespmem:$0x1E0B0] =	vst v63  }
0x91: {  	_ =	swait.ge [sflag:s28], $0x10  }
0x92: {  	[sflag:s28] =	ssyncset.done $0x0  }
0x93: {  	[sflag:s28] =	ssyncadd.s32 $0xFFFFFFF0  }
0x94: {  	[tilespmem:s26], [sflag:$0x1] =	stream.indirect.gather [hbm4b:s1+s10], $0x80, s4, s10, $0xb8;
	[tilespmem:$0x1E0B0] =	vst v63  }
0x95: {  	_ =	swait.ge [sflag:s31], $0x800  }
0x96: {  	[sflag:s31] =	ssyncset.done $0x0  }
0x97: {  	[sflag:s31] =	ssyncadd.s32 $0xFFFFF800  }
0x98: {  	[tilespmem:s0], [sflag:$0x2] =	stream.linear.gather [hbm4b:s23+s17], $0x800, $0x38;
	[tilespmem:$0x1E0B0] =	vst v63  }
0x99: {  	_ =	swait.ge [sflag:s28], $0x800  }
0x9a: {  	[sflag:s28] =	ssyncset.done $0x0  }
0x9b: {  	s17 =	simm.s32 $0x0;
	[sflag:s28] =	ssyncadd.s32 $0xFFFFF800  }
0x9c: {  	v8 =	vld [tilespmem:s17+$0x4120]  }
0x9d: {  	v12 =	vld [tilespmem:s17+$0x4130]  }
0x9e: {  	v6 =	vld [tilespmem:s17+$0x4140]  }
0x9f: {  	v5 =	vld [tilespmem:s17+$0x4150]  }
0xa0: {  	v4 =	vld [tilespmem:s17+$0x4160]  }
0xa1: {  	v3 =	vld [tilespmem:s17+$0x4170]  }
0xa2: {  	v2 =	vld [tilespmem:s17+$0x4180]  }
0xa3: {  	v1 =	vld [tilespmem:s17+$0x4190]  }
0xa4: {  	v13 =	vld [tilespmem:s17+$0x120]  }
0xa5: {  	v14 =	vld [tilespmem:s17+$0x130]  }
0xa6: {  	v11 =	vld [tilespmem:s17+$0x140]  }
0xa7: {  	v10 =	vld [tilespmem:s17+$0x150]  }
0xa8: {  	v9 =	vld [tilespmem:s17+$0x160]  }
0xa9: {  	v7 =	vld [tilespmem:s17+$0x170];
	v13 =	vmul.f32 v8, v13  }
0xaa: {  	s18 =	simm.s32 $0x200;
	v12 =	vmul.f32 v12, v14;
	v8 =	vld [tilespmem:s17+$0x180]  }
.LBB2_6:
0xab: {  	s19 =	sshra.s32 s18, $0x2;
	p0 =	sne.s32 s18, $0x1E00;
	[tilespmem:s17+$0x120] =	vst v13;
	v6 =	vmul.f32 v6, v11;
	v11 =	vld [tilespmem:s17+$0x190]  }
0xac: {  	v13 =	vld [tilespmem:s19+$0x4120];
	[tilespmem:s17+$0x130] =	vst v12;
	v5 =	vmul.f32 v5, v10  }
0xad: {  	v12 =	vld [tilespmem:s19+$0x4130];
	[tilespmem:s17+$0x140] =	vst v6;
	v4 =	vmul.f32 v4, v9  }
0xae: {  	v6 =	vld [tilespmem:s19+$0x4140];
	[tilespmem:s17+$0x150] =	vst v5;
	v3 =	vmul.f32 v3, v7  }
0xaf: {  	v5 =	vld [tilespmem:s19+$0x4150];
	[tilespmem:s17+$0x160] =	vst v4;
	v2 =	vmul.f32 v2, v8  }
0xb0: {  	v4 =	vld [tilespmem:s19+$0x4160];
	[tilespmem:s17+$0x170] =	vst v3;
	v1 =	vmul.f32 v1, v11  }
0xb1: {  	v3 =	vld [tilespmem:s19+$0x4170];
	[tilespmem:s17+$0x180] =	vst v2  }
0xb2: {  	v2 =	vld [tilespmem:s19+$0x4180];
	[tilespmem:s17+$0x190] =	vst v1;
	s17 =	smov.u32 s19  }
0xb3: {  	v1 =	vld [tilespmem:s17+$0x4190]  }
0xb4: {  	v7 =	vld [tilespmem:s17+$0x120]  }
0xb5: {  	v8 =	vld [tilespmem:s17+$0x130]  }
.Ltmp2:
0xb6: {  	v11 =	vld [tilespmem:s17+$0x140];
	(pc) =	sbr.rel @p0 .LBB2_6-.Ltmp2, $4  }
0xb7: {  	v10 =	vld [tilespmem:s17+$0x150]  }
0xb8: {  	v9 =	vld [tilespmem:s17+$0x160]  }
0xb9: {  	v13 =	vmul.f32 v13, v7;
	v7 =	vld [tilespmem:s17+$0x170]  }
0xba: {  	s18 =	sadd.s32 $0x200, s18;
	v12 =	vmul.f32 v12, v8;
	v8 =	vld [tilespmem:s17+$0x180]  }
0xbb: {  	[tilespmem:s17+$0x120] =	vst v13;
	v6 =	vmul.f32 v6, v11;
	v63 =	vld [tilespmem:s17+$0x190]  }
0xbc: {  	[tilespmem:s17+$0x130] =	vst v12;
	v5 =	vmul.f32 v5, v10  }
0xbd: {  	[tilespmem:s17+$0x140] =	vst v6;
	v4 =	vmul.f32 v4, v9  }
0xbe: {  	[tilespmem:s17+$0x150] =	vst v5;
	v3 =	vmul.f32 v3, v7  }
0xbf: {  	[tilespmem:s17+$0x160] =	vst v4;
	v2 =	vmul.f32 v2, v8  }
0xc0: {  	[tilespmem:s17+$0x170] =	vst v3;
	v1 =	vmul.f32 v1, v63  }
0xc1: {  	[tilespmem:s17+$0x180] =	vst v2  }
0xc2: {  	[tilespmem:s17+$0x190] =	vst v1  }
0xc3: {  	v1 =	vld [tilespmem:$0x110];
	_ =	sdelay $0x7  }
0xc4: {  	[tilespmem:v1+s29+$0x0] =	vst.idx.add.f32.msk $0xffff, v0  }
0xc5: {  	[spmem:s2] =	stream.indirect.scatter.add.f32 [tilespmem:s26], [sflag:$0x2], $0x80, s8, s10, $0xb8;
	[tilespmem:$0x1E0B0] =	vst v63  }
0xc6: {  	_ =	swait.ge [sflag:s28], $0x800  }
0xc7: {  	[sflag:s28] =	ssyncset.done $0x0  }
0xc8: {  	[sflag:s28] =	ssyncadd.s32 $0xFFFFF800  }
0xc9: {  	[bflag:$0x0] =	sbarrier.arrive $0xFFFF  }
0xca: {  	[hbm4b:s24+s3] =	stream.linear.scatter [tilespmem:s29], [sflag:$0x2], $0x2710, $0x38;
	[tilespmem:$0x1E0B0] =	vst v63  }
0xcb: {  	_ =	swait.ge [sflag:s28], $0x2710  }
0xcc: {  	[sflag:s28] =	ssyncset.done $0x0  }
0xcd: {  	[sflag:s28] =	ssyncadd.s32 $0xFFFFD8F0  }
0xce: {  	[tilespmem:s26], [sflag:$0x2] =	stream.linear.gather [spmem:s11], $0x3E80, $0x38;
	[tilespmem:$0x1E0B0] =	vst v63  }
0xcf: {  	_ =	swait.ge [sflag:s28], $0x3E80  }
0xd0: {  	[sflag:s28] =	ssyncset.done $0x0  }
0xd1: {  	s19 =	rddreg [dreg:$0x6];
	[sflag:s28] =	ssyncadd.s32 $0xFFFFC180  }
0xd2: {  	[hbm4b:s19+s3] =	stream.linear.scatter [tilespmem:s26], [sflag:$0x2], $0x3E80, $0x38;
	[tilespmem:$0x1E0B0] =	vst v63  }
0xd3: {  	_ =	swait.ge [sflag:s28], $0x3E80  }
0xd4: {  	[sflag:s28] =	ssyncset.done $0x0  }
0xd5: {  	[sflag:s28] =	ssyncadd.s32 $0xFFFFC180  }
0xd6: {  	[tilespmem:s26], [sflag:$0x2] =	stream.linear.gather [spmem:s12], $0x3E80, $0x38;
	[tilespmem:$0x1E0B0] =	vst v63  }
0xd7: {  	_ =	swait.ge [sflag:s28], $0x3E80  }
0xd8: {  	[sflag:s28] =	ssyncset.done $0x0  }
0xd9: {  	s20 =	rddreg [dreg:$0x7];
	[sflag:s28] =	ssyncadd.s32 $0xFFFFC180  }
0xda: {  	[hbm4b:s20+s3] =	stream.linear.scatter [tilespmem:s26], [sflag:$0x2], $0x3E80, $0x38;
	[tilespmem:$0x1E0B0] =	vst v63  }
0xdb: {  	_ =	swait.ge [sflag:s28], $0x3E80  }
0xdc: {  	[sflag:s28] =	ssyncset.done $0x0  }
0xdd: {  	[sflag:s28] =	ssyncadd.s32 $0xFFFFC180  }
0xde: {  	[tilespmem:s26], [sflag:$0x2] =	stream.linear.gather [spmem:s13], $0x3E80, $0x38;
	[tilespmem:$0x1E0B0] =	vst v63  }
0xdf: {  	_ =	swait.ge [sflag:s28], $0x3E80  }
0xe0: {  	[sflag:s28] =	ssyncset.done $0x0  }
0xe1: {  	s18 =	rddreg [dreg:$0x8];
	[sflag:s28] =	ssyncadd.s32 $0xFFFFC180  }
0xe2: {  	[hbm4b:s18+s3] =	stream.linear.scatter [tilespmem:s26], [sflag:$0x2], $0x3E80, $0x38;
	[tilespmem:$0x1E0B0] =	vst v63  }
0xe3: {  	_ =	swait.ge [sflag:s28], $0x3E80  }
0xe4: {  	[sflag:s28] =	ssyncset.done $0x0  }
0xe5: {  	[sflag:s28] =	ssyncadd.s32 $0xFFFFC180  }
0xe6: {  	[tilespmem:s26], [sflag:$0x2] =	stream.linear.gather [spmem:s14], $0x3E80, $0x38;
	[tilespmem:$0x1E0B0] =	vst v63  }
0xe7: {  	_ =	swait.ge [sflag:s28], $0x3E80  }
0xe8: {  	[sflag:s28] =	ssyncset.done $0x0  }
0xe9: {  	s19 =	rddreg [dreg:$0x9];
	[sflag:s28] =	ssyncadd.s32 $0xFFFFC180  }
0xea: {  	[hbm4b:s19+s3] =	stream.linear.scatter [tilespmem:s26], [sflag:$0x2], $0x3E80, $0x38;
	[tilespmem:$0x1E0B0] =	vst v63  }
0xeb: {  	_ =	swait.ge [sflag:s28], $0x3E80  }
0xec: {  	[sflag:s28] =	ssyncset.done $0x0  }
0xed: {  	[sflag:s28] =	ssyncadd.s32 $0xFFFFC180  }
0xee: {  	[tilespmem:s26], [sflag:$0x2] =	stream.linear.gather [spmem:s15], $0x3E80, $0x38;
	[tilespmem:$0x1E0B0] =	vst v63  }
0xef: {  	s16 =	sadd.s32 $0x1, s16;
	_ =	swait.ge [sflag:s28], $0x3E80  }
0xf0: {  	p0 =	sne.s32 s16, s25;
	[sflag:s28] =	ssyncset.done $0x0  }
.Ltmp3:
0xf1: {  	s20 =	rddreg [dreg:$0xa];
	[sflag:s28] =	ssyncadd.s32 $0xFFFFC180;
	(pc) =	sbr.rel @p0 .LBB2_1-.Ltmp3, $4  }
0xf2: {  	[hbm4b:s20+s3] =	stream.linear.scatter [tilespmem:s26], [sflag:$0x2], $0x3E80, $0x38;
	[tilespmem:$0x1E0B0] =	vst v63  }
0xf3: {  	_ =	swait.ge [sflag:s28], $0x3E80  }
0xf4: {  	[sflag:s28] =	ssyncset.done $0x0  }
0xf5: {  	[sflag:s28] =	ssyncadd.s32 $0xFFFFC180  }
0xf6: {  	_ =	sfence.sel $0x180000  }
0xf7: {  	[bflag:$0x0] =	sbarrier.arrive $0xFFFF  }
0xf8: {  	_ =	strace $0x90000047  }
0xf9: {  	s0 =	stileid.u32;
	[bflag:$0x2] =	sbarrier.arrive $0xFFFF  }
0xfa: {  	p0 =	sne.s32 s0, $0x0;
	s0 =	rddreg [dreg:$0x3]  }
0xfb: {  	s0 =	sadd.s32 @!p0 $0x100000, s0  }
0xfc: {  	[sflag:s0] =	ssyncadd.tile.s32 @!p0 $0x1;
	_ =	shalt  }
.Lfunc_end2:
_tile_overlayer_lowered:
.L_overlay_start_2:
0xfd: {  	(tag) =	ssettag $0x2  }
0xfe: {  	s0 =	rddreg [dreg:$0x0];
	s2 =	stileid.u32  }
0xff: {  	s1 =	rddreg [dreg:$0x1];
	p0 =	sne.s32 s2, $0x0  }
0x100: {  	s3 =	rddreg [dreg:$0x2];
	[bflag:$0x3] =	sbarrier.arrive $0xFFFF;
	s2 =	simm.s32 @!p0 $0x1C02  }
0x101: {  	[timem:s3], [sflag:s2] =	dma.local @!p0 [hbm:s0], s1  }
0x102: {  	s0 =	simm.s32 @!p0 $0x2  }
0x103: {  	_ =	swait.ge @!p0 [sflag:s0], s1  }
0x104: {  	s1 =	ssub.s32 @!p0 $0x0, s1;
	[sflag:s0] =	ssyncset.done @!p0 $0x0  }
0x105: {  	[sflag:s0] =	ssyncadd.s32 @!p0 s1  }
0x106: {  	[bflag:$0x3] =	sbarrier.arrive $0xFFFF  }
0x107: {  	_ =	shalt  }

</sc_bundles>
